<compile_context>
chip_gen: v7x
topology: tpu7x:2x2x1
jax: 0.10.2.dev20260603
libtpu: 0.0.44.dev20260713+nightly
codegen_flags: <defaults>
</compile_context>

<pallas_src>
import jax
import jax.numpy as jnp
from jax import lax
from jax.experimental import pallas as pl
from jax.experimental.pallas import tpu as pltpu
from jax.experimental.pallas import tpu_sc as plsc

_D = 512
_SEQ = 77
_B = 1024
_PRE = 12
_NCTX = 4
_SUF = 20
_SUF_START = 57
_ROWS = _PRE + _NCTX + _SUF
_TOK = _PRE + _SUF

_NC = 2
_NS = 16
_NW = _NC * _NS
_BPW = _B // _NW

_CCH = 16
_NSLOT = 4
_ASM_G = 128


def _sc_body(idxt_hbm, vid_hbm, table_hbm, cls_hbm, z_hbm,
             out_t, cls_out, idxt_v, vid_v, zbuf, b0, b1, b2, b3, cbuf,
             csem, zsem, g0, g1, g2, g3, s0, s1, s2, s3):
    bufs = (b0, b1, b2, b3)
    gsems = (g0, g1, g2, g3)
    osems = (s0, s1, s2, s3)

    wid = lax.axis_index("s") * _NC + lax.axis_index("c")
    base = wid * _BPW

    blk = (wid // 4) * 128
    col = (wid % 4) * _BPW
    pltpu.sync_copy(idxt_hbm.at[:, pl.ds(blk, 128)], idxt_v)
    pltpu.sync_copy(vid_hbm.at[pl.ds(base, _BPW)], vid_v)
    pltpu.sync_copy(z_hbm, zbuf)

    def _zfire(j, _):
        pltpu.async_copy(zbuf, out_t.at[_ROWS + j, pl.ds(base, _BPW)], zsem)
        return 0

    lax.fori_loop(0, _SEQ - _ROWS, _zfire, 0)

    def _cls_chunk(j, _):
        c0 = base + j * _CCH
        pltpu.async_copy(
            cls_hbm.at[vid_v.at[pl.ds(j * _CCH, _CCH)]], cbuf, csem).wait()
        pltpu.sync_copy(cbuf, cls_out.at[pl.ds(c0, _CCH)])
        return 0

    lax.fori_loop(0, _BPW // _CCH, _cls_chunk, 0)

    def _pos_out(p):
        return p + jnp.where(p >= _PRE, _NCTX, 0)

    for s in range(_NSLOT):
        pltpu.async_copy(
            table_hbm.at[idxt_v.at[s, pl.ds(col, _BPW)]], bufs[s], gsems[s])

    def _round(k, _):
        descs = []
        for s in range(_NSLOT):
            p = k * _NSLOT + s
            pltpu.make_async_copy(
                table_hbm.at[idxt_v.at[p, pl.ds(col, _BPW)]],
                bufs[s], gsems[s]).wait()
            descs.append(pltpu.async_copy(
                bufs[s], out_t.at[_pos_out(p), pl.ds(base, _BPW)], osems[s]))
        for s in range(_NSLOT):
            descs[s].wait()
            pltpu.async_copy(
                table_hbm.at[idxt_v.at[(k + 1) * _NSLOT + s, pl.ds(col, _BPW)]],
                bufs[s], gsems[s])
        return 0

    lax.fori_loop(0, _TOK // _NSLOT - 1, _round, 0)

    for s in range(_NSLOT):
        p = _TOK - _NSLOT + s
        pltpu.make_async_copy(
            table_hbm.at[idxt_v.at[p, pl.ds(col, _BPW)]],
            bufs[s], gsems[s]).wait()
        pltpu.async_copy(
            bufs[s], out_t.at[_pos_out(p), pl.ds(base, _BPW)], osems[s]).wait()

    def _zdrain(j, _):
        pltpu.make_async_copy(
            zbuf, out_t.at[_ROWS + j, pl.ds(base, _BPW)], zsem).wait()
        return 0

    lax.fori_loop(0, _SEQ - _ROWS, _zdrain, 0)


def _patch_body(ot_ref, cls_ref, o_ref):
    for q in range(_NCTX):
        o_ref[q] = cls_ref[:, q, :]


def kernel(vehicle_ids, tokenized_prompts, token_table, cls_ctx):
    tp = tokenized_prompts.astype(jnp.int32)
    vid = vehicle_ids.astype(jnp.int32)
    idx_t = jnp.concatenate(
        [tp[:, :_PRE], tp[:, _SUF_START:_SEQ]], axis=1).T
    zeros = jnp.zeros((_BPW, _D), jnp.float32)

    mesh = plsc.VectorSubcoreMesh(
        core_axis_name="c", subcore_axis_name="s",
        num_cores=_NC, num_subcores=_NS)

    slot = pltpu.VMEM((_BPW, _D), jnp.float32)
    gather = pl.kernel(
        _sc_body,
        out_type=(jax.ShapeDtypeStruct((_SEQ, _B, _D), jnp.float32),
                  jax.ShapeDtypeStruct((_B, _NCTX, _D), jnp.float32)),
        mesh=mesh,
        scratch_types=[
            pltpu.VMEM((_TOK, 128), jnp.int32),
            pltpu.VMEM((_BPW,), jnp.int32),
            pltpu.VMEM((_BPW, _D), jnp.float32),
            slot, slot, slot, slot,
            pltpu.VMEM((_CCH, _NCTX, _D), jnp.float32),
            pltpu.SemaphoreType.DMA, pltpu.SemaphoreType.DMA,
            pltpu.SemaphoreType.DMA, pltpu.SemaphoreType.DMA,
            pltpu.SemaphoreType.DMA, pltpu.SemaphoreType.DMA,
            pltpu.SemaphoreType.DMA, pltpu.SemaphoreType.DMA,
            pltpu.SemaphoreType.DMA, pltpu.SemaphoreType.DMA,
        ],
        compiler_params=pltpu.CompilerParams(use_tc_tiling_on_sc=True),
    )
    out_t, sc_cls = gather(idx_t, vid, token_table, cls_ctx, zeros)

    patched = pl.pallas_call(
        _patch_body,
        grid=(_B // _ASM_G,),
        in_specs=[
            pl.BlockSpec(memory_space=pltpu.MemorySpace.HBM),
            pl.BlockSpec((_ASM_G, _NCTX, _D), lambda i: (i, 0, 0)),
        ],
        out_specs=pl.BlockSpec((_NCTX, _ASM_G, _D), lambda i: (3, i, 0)),
        out_shape=jax.ShapeDtypeStruct((_SEQ, _B, _D), jnp.float32),
        input_output_aliases={0: 0},
    )(out_t, sc_cls)

    return jnp.transpose(patched, (1, 0, 2))

# --- scband reference (transcript-rebuilt; emitter-appended) ---
"""Pipeline reference for scband-prompt-learner-31275951850351 (READ-ONLY COPY).

The authoritative reference and input builder live on the scoring server;
editing this copy changes nothing except your own understanding.
"""

import jax, jax.numpy as jnp
import numpy as np

NUM_CLASS = 13164
VOCAB = 49408
CTX_DIM = 512
N_CTX = 4
SEQ = 77
B = 1024
PREFIX_LEN = 12   # embedding[:, :12, :]
SUFFIX_START = (SEQ - 16) - N_CTX  # token_suffix.shape[1]=61; 61 - n_ctx = 57


def setup_inputs(seed: int = 0) -> dict:
    key = jax.random.key(seed)
    k1, k2, k3, k4 = jax.random.split(key, 4)
    vehicle_ids = jax.random.randint(k1, (B,), 0, NUM_CLASS)
    tokenized_prompts = jax.random.randint(k2, (B, SEQ), 0, VOCAB)
    token_table = jax.random.normal(k3, (VOCAB, CTX_DIM), dtype=jnp.float32)
    cls_ctx = jax.random.normal(k4, (NUM_CLASS, N_CTX, CTX_DIM), dtype=jnp.float32) * 0.02
    return {
        "vehicle_ids": vehicle_ids,
        "tokenized_prompts": tokenized_prompts,
        "token_table": token_table,
        "cls_ctx": cls_ctx,
    }


def reference(vehicle_ids, tokenized_prompts, token_table, cls_ctx):
    # token_embedding lookup (done under no_grad in the original)
    embedding = jnp.take(token_table, tokenized_prompts, axis=0)  # [B, 77, 512]
    prefix = embedding[:, :PREFIX_LEN, :]          # [B, 12, 512]
    suffix = embedding[:, SUFFIX_START:, :]        # [B, 20, 512]
    cls = jnp.take(cls_ctx, vehicle_ids, axis=0)   # [B, 4, 512]
    prompts = jnp.concatenate([prefix, cls, suffix], axis=1)  # [B, 36, 512]
    pad_len = SEQ - prompts.shape[1]
    if pad_len > 0:
        padding = jnp.zeros((prompts.shape[0], pad_len, CTX_DIM), dtype=prompts.dtype)
        prompts = jnp.concatenate([prompts, padding], axis=1)
    return prompts  # [B, 77, 512]

if __name__ == "__main__":
    import jax
    _d = setup_inputs()
    print(jax.jit(kernel)(*tuple(_d.values())))

</pallas_src>

<mosaic_0001>
#map = affine_map<(d0, d1) -> (0, 0)>
#map1 = affine_map<(d0, d1) -> (0)>
#map2 = affine_map<(d0, d1) -> (0, 0, 0)>
module attributes {stable_mosaic.version = 14 : i64} {
  func.func @_sc_body(%arg0: i32, %arg1: i32, %arg2: memref<32x1024xi32, #tpu.memory_space<hbm>>, %arg3: memref<1024xi32, #tpu.memory_space<hbm>>, %arg4: memref<49408x512xf32, #tpu.memory_space<hbm>>, %arg5: memref<13164x4x512xf32, #tpu.memory_space<hbm>>, %arg6: memref<32x512xf32, #tpu.memory_space<hbm>>, %arg7: memref<77x1024x512xf32, #tpu.memory_space<hbm>>, %arg8: memref<1024x4x512xf32, #tpu.memory_space<hbm>>, %arg9: memref<32x128xi32, #tpu.memory_space<vmem>>, %arg10: memref<32xi32, #tpu.memory_space<vmem>>, %arg11: memref<32x512xf32, #tpu.memory_space<vmem>>, %arg12: memref<32x512xf32, #tpu.memory_space<vmem>>, %arg13: memref<32x512xf32, #tpu.memory_space<vmem>>, %arg14: memref<32x512xf32, #tpu.memory_space<vmem>>, %arg15: memref<32x512xf32, #tpu.memory_space<vmem>>, %arg16: memref<16x4x512xf32, #tpu.memory_space<vmem>>, %arg17: memref<!tpu.dma_semaphore, #tpu.memory_space<semaphore_mem>>, %arg18: memref<!tpu.dma_semaphore, #tpu.memory_space<semaphore_mem>>, %arg19: memref<!tpu.dma_semaphore, #tpu.memory_space<semaphore_mem>>, %arg20: memref<!tpu.dma_semaphore, #tpu.memory_space<semaphore_mem>>, %arg21: memref<!tpu.dma_semaphore, #tpu.memory_space<semaphore_mem>>, %arg22: memref<!tpu.dma_semaphore, #tpu.memory_space<semaphore_mem>>, %arg23: memref<!tpu.dma_semaphore, #tpu.memory_space<semaphore_mem>>, %arg24: memref<!tpu.dma_semaphore, #tpu.memory_space<semaphore_mem>>, %arg25: memref<!tpu.dma_semaphore, #tpu.memory_space<semaphore_mem>>, %arg26: memref<!tpu.dma_semaphore, #tpu.memory_space<semaphore_mem>>) attributes {dimension_semantics = [#tpu.dimension_semantics<core_parallel>, #tpu.dimension_semantics<subcore_parallel>], iteration_bounds = array<i64: 2, 16>, scalar_prefetch = 0 : i64, scratch_operands = 18 : i64, tpu.core_type = #tpu.core_type<sc_vector_subcore>, window_params = [{transform_indices = #map}, {transform_indices = #map1}, {transform_indices = #map}, {transform_indices = #map2}, {transform_indices = #map}, {transform_indices = #map2}, {transform_indices = #map2}]} {
    %mul3A = arith.constant 2 : i32
    %mul3A_0 = arith.muli %arg1, %mul3A : i32
    %add3A = arith.addi %mul3A_0, %arg0 : i32
    %mul3A_1 = arith.constant 32 : i32
    %mul3A_2 = arith.muli %add3A, %mul3A_1 : i32
    %jit3A = arith.constant 4 : i32
    %div3A = arith.divsi %add3A, %jit3A : i32
    %sign3A = arith.constant 0 : i32
    %sign3A_3 = arith.cmpi sgt, %add3A, %sign3A : i32
    %sign3A_4 = arith.extui %sign3A_3 : i1 to i32
    %sign3A_5 = arith.constant 0 : i32
    %sign3A_6 = arith.cmpi slt, %add3A, %sign3A_5 : i32
    %sign3A_7 = arith.extui %sign3A_6 : i1 to i32
    %sign3A_8 = arith.subi %sign3A_4, %sign3A_7 : i32
    %sign3A_9 = arith.constant 0 : i32
    %sign3A_10 = arith.cmpi sgt, %jit3A, %sign3A_9 : i32
    %sign3A_11 = arith.extui %sign3A_10 : i1 to i32
    %sign3A_12 = arith.constant 0 : i32
    %sign3A_13 = arith.cmpi slt, %jit3A, %sign3A_12 : i32
    %sign3A_14 = arith.extui %sign3A_13 : i1 to i32
    %sign3A_15 = arith.subi %sign3A_11, %sign3A_14 : i32
    %ne3A = arith.cmpi ne, %sign3A_8, %sign3A_15 : i32
    %rem3A = arith.remsi %add3A, %jit3A : i32
    %ne3A_16 = arith.constant 0 : i32
    %ne3A_17 = arith.cmpi ne, %rem3A, %ne3A_16 : i32
    %and3A = arith.andi %ne3A, %ne3A_17 : i1
    %sub3A = arith.constant 1 : i32
    %sub3A_18 = arith.subi %div3A, %sub3A : i32
    %select_n3A = arith.select %and3A, %sub3A_18, %div3A : i32
    %mul3A_19 = arith.constant 128 : i32
    %mul3A_20 = arith.muli %select_n3A, %mul3A_19 : i32
    %jit3A_21 = arith.constant 4 : i32
    %eq3A = arith.constant 0 : i32
    %eq3A_22 = arith.cmpi eq, %jit3A_21, %eq3A : i32
    %jit3A_23 = arith.constant 1 : i32
    %select_n3A_24 = arith.select %eq3A_22, %jit3A_23, %jit3A_21 : i32
    %rem3A_25 = arith.remsi %add3A, %select_n3A_24 : i32
    %ne3A_26 = arith.constant 0 : i32
    %ne3A_27 = arith.cmpi ne, %rem3A_25, %ne3A_26 : i32
    %lt3A = arith.constant 0 : i32
    %lt3A_28 = arith.cmpi slt, %rem3A_25, %lt3A : i32
    %lt3A_29 = arith.constant 0 : i32
    %lt3A_30 = arith.cmpi slt, %select_n3A_24, %lt3A_29 : i32
    %ne3A_31 = arith.xori %lt3A_28, %lt3A_30 : i1
    %and3A_32 = arith.andi %ne3A_31, %ne3A_27 : i1
    %add3A_33 = arith.addi %rem3A_25, %select_n3A_24 : i32
    %select_n3A_34 = arith.select %and3A_32, %add3A_33, %rem3A_25 : i32
    %mul3A_35 = arith.constant 32 : i32
    %mul3A_36 = arith.muli %select_n3A_34, %mul3A_35 : i32
    "tpu.region"() ({
      %run_scoped3A = tpu.sem_alloc : memref<!tpu.dma_semaphore, #tpu.memory_space<semaphore_mem>>
      %dma_start3A_182 = arith.constant 0 : i32
      %dma_start3A_183 = tpu.memref_slice %arg2[%dma_start3A_182, %mul3A_20] : memref<32x1024xi32, #tpu.memory_space<hbm>> -> memref<32x128xi32, #tpu.memory_space<hbm>>
      %dma_start3A_184 = arith.constant 0 : i32
      %dma_start3A_185 = tpu.memref_slice %arg2[%dma_start3A_184, %mul3A_20] : memref<32x1024xi32, #tpu.memory_space<hbm>> -> memref<32x128xi32, #tpu.memory_space<hbm>>
      tpu.enqueue_dma source(%dma_start3A_185 : memref<32x128xi32, #tpu.memory_space<hbm>>) target(%arg9 : memref<32x128xi32, #tpu.memory_space<vmem>>) target_semaphore(%run_scoped3A : memref<!tpu.dma_semaphore, #tpu.memory_space<semaphore_mem>>)
      %dma_wait3A_186 = arith.constant 0 : i32
      %dma_wait3A_187 = tpu.memref_slice %arg2[%dma_wait3A_186, %mul3A_20] : memref<32x1024xi32, #tpu.memory_space<hbm>> -> memref<32x128xi32, #tpu.memory_space<hbm>>
      %dma_wait3A_188 = arith.constant 0 : i32
      %dma_wait3A_189 = tpu.memref_slice %arg2[%dma_wait3A_188, %mul3A_20] : memref<32x1024xi32, #tpu.memory_space<hbm>> -> memref<32x128xi32, #tpu.memory_space<hbm>>
      tpu.wait_dma2 semaphore(%run_scoped3A : memref<!tpu.dma_semaphore, #tpu.memory_space<semaphore_mem>>) src(%dma_wait3A_189 : memref<32x128xi32, #tpu.memory_space<hbm>>) dst(%arg9 : memref<32x128xi32, #tpu.memory_space<vmem>>)
      tpu.yield
    }) : () -> ()
    "tpu.region"() ({
      %run_scoped3A = tpu.sem_alloc : memref<!tpu.dma_semaphore, #tpu.memory_space<semaphore_mem>>
      %dma_start3A_182 = tpu.memref_slice %arg3[%mul3A_2] : memref<1024xi32, #tpu.memory_space<hbm>> -> memref<32xi32, #tpu.memory_space<hbm>>
      %dma_start3A_183 = tpu.memref_slice %arg3[%mul3A_2] : memref<1024xi32, #tpu.memory_space<hbm>> -> memref<32xi32, #tpu.memory_space<hbm>>
      tpu.enqueue_dma source(%dma_start3A_183 : memref<32xi32, #tpu.memory_space<hbm>>) target(%arg10 : memref<32xi32, #tpu.memory_space<vmem>>) target_semaphore(%run_scoped3A : memref<!tpu.dma_semaphore, #tpu.memory_space<semaphore_mem>>)
      %dma_wait3A_184 = tpu.memref_slice %arg3[%mul3A_2] : memref<1024xi32, #tpu.memory_space<hbm>> -> memref<32xi32, #tpu.memory_space<hbm>>
      %dma_wait3A_185 = tpu.memref_slice %arg3[%mul3A_2] : memref<1024xi32, #tpu.memory_space<hbm>> -> memref<32xi32, #tpu.memory_space<hbm>>
      tpu.wait_dma2 semaphore(%run_scoped3A : memref<!tpu.dma_semaphore, #tpu.memory_space<semaphore_mem>>) src(%dma_wait3A_185 : memref<32xi32, #tpu.memory_space<hbm>>) dst(%arg10 : memref<32xi32, #tpu.memory_space<vmem>>)
      tpu.yield
    }) : () -> ()
    "tpu.region"() ({
      %run_scoped3A = tpu.sem_alloc : memref<!tpu.dma_semaphore, #tpu.memory_space<semaphore_mem>>
      tpu.enqueue_dma source(%arg6 : memref<32x512xf32, #tpu.memory_space<hbm>>) target(%arg11 : memref<32x512xf32, #tpu.memory_space<vmem>>) target_semaphore(%run_scoped3A : memref<!tpu.dma_semaphore, #tpu.memory_space<semaphore_mem>>)
      tpu.wait_dma2 semaphore(%run_scoped3A : memref<!tpu.dma_semaphore, #tpu.memory_space<semaphore_mem>>) src(%arg6 : memref<32x512xf32, #tpu.memory_space<hbm>>) dst(%arg11 : memref<32x512xf32, #tpu.memory_space<vmem>>)
      tpu.yield
    }) : () -> ()
    %scan3A = arith.constant 0 : i32
    %scan3A_37 = arith.constant 0 : i32
    %scan3A_38 = arith.constant 41 : i32
    %scan3A_39 = arith.addi %scan3A_37, %scan3A_38 : i32
    %scan3A_40 = arith.constant 1 : i32
    %scan3A_41 = scf.for %scan3A_182 = %scan3A_37 to %scan3A_39 step %scan3A_40 iter_args(%scan3A_183 = %scan3A) -> (i32)  : i32 {
      %add3A_184 = arith.constant 36 : i32
      %add3A_185 = arith.addi %add3A_184, %scan3A_182 : i32
      %dma_start3A_186 = arith.constant 0 : i32
      %dma_start3A_187 = tpu.memref_slice %arg7[%add3A_185, %mul3A_2, %dma_start3A_186] : memref<77x1024x512xf32, #tpu.memory_space<hbm>> -> memref<1x32x512xf32, #tpu.memory_space<hbm>>
      %dma_start3A_188 = tpu.memref_squeeze %dma_start3A_187 : memref<1x32x512xf32, #tpu.memory_space<hbm>> -> memref<32x512xf32, #tpu.memory_space<hbm>>
      %dma_start3A_189 = arith.constant 0 : i32
      %dma_start3A_190 = tpu.memref_slice %arg7[%add3A_185, %mul3A_2, %dma_start3A_189] : memref<77x1024x512xf32, #tpu.memory_space<hbm>> -> memref<1x32x512xf32, #tpu.memory_space<hbm>>
      %dma_start3A_191 = tpu.memref_squeeze %dma_start3A_190 : memref<1x32x512xf32, #tpu.memory_space<hbm>> -> memref<32x512xf32, #tpu.memory_space<hbm>>
      tpu.enqueue_dma source(%arg11 : memref<32x512xf32, #tpu.memory_space<vmem>>) target(%dma_start3A_191 : memref<32x512xf32, #tpu.memory_space<hbm>>) target_semaphore(%arg18 : memref<!tpu.dma_semaphore, #tpu.memory_space<semaphore_mem>>)
      %scan3A_192 = arith.constant 0 : i32
      scf.yield %scan3A_192 : i32
    }
    %scan3A_42 = arith.constant 41 : i32
    %scan3A_43 = arith.constant 0 : i32
    %scan3A_44 = arith.constant 0 : i32
    %scan3A_45 = arith.constant 2 : i32
    %scan3A_46 = arith.addi %scan3A_44, %scan3A_45 : i32
    %scan3A_47 = arith.constant 1 : i32
    %scan3A_48 = scf.for %scan3A_182 = %scan3A_44 to %scan3A_46 step %scan3A_47 iter_args(%scan3A_183 = %scan3A_43) -> (i32)  : i32 {
      %mul3A_184 = arith.constant 16 : i32
      %mul3A_185 = arith.muli %scan3A_182, %mul3A_184 : i32
      %add3A_186 = arith.addi %mul3A_2, %mul3A_185 : i32
      %mul3A_187 = arith.constant 16 : i32
      %mul3A_188 = arith.muli %scan3A_182, %mul3A_187 : i32
      %dma_start3A_189 = tpu.memref_slice %arg10[%mul3A_188] : memref<32xi32, #tpu.memory_space<vmem>> -> memref<16xi32, #tpu.memory_space<vmem>>
      %dma_start3A_190 = arith.constant 0 : i32
      %dma_start3A_191 = arith.constant 0 : i32
      %dma_start3A_192 = arith.constant 0 : i32
      %dma_start3A_193 = tpu.memref_slice %arg5[%dma_start3A_190, %dma_start3A_191, %dma_start3A_192] : memref<13164x4x512xf32, #tpu.memory_space<hbm>> -> memref<13164x4x512xf32, #tpu.memory_space<hbm>>
      tpu.enqueue_indirect_dma source(%dma_start3A_193 : memref<13164x4x512xf32, #tpu.memory_space<hbm>>) target(%arg16 : memref<16x4x512xf32, #tpu.memory_space<vmem>>) offsets(%dma_start3A_189 : memref<16xi32, #tpu.memory_space<vmem>>) semaphore(%arg17 : memref<!tpu.dma_semaphore, #tpu.memory_space<semaphore_mem>>)
      %dma_wait3A_194 = tpu.memref_slice %arg10[%mul3A_188] : memref<32xi32, #tpu.memory_space<vmem>> -> memref<16xi32, #tpu.memory_space<vmem>>
      %dma_wait3A_195 = arith.constant 0 : i32
      %dma_wait3A_196 = arith.constant 0 : i32
      %dma_wait3A_197 = arith.constant 0 : i32
      %dma_wait3A_198 = tpu.memref_slice %arg5[%dma_wait3A_195, %dma_wait3A_196, %dma_wait3A_197] : memref<13164x4x512xf32, #tpu.memory_space<hbm>> -> memref<13164x4x512xf32, #tpu.memory_space<hbm>>
      tpu.wait_indirect_dma semaphore(%arg17 : memref<!tpu.dma_semaphore, #tpu.memory_space<semaphore_mem>>) src(%dma_wait3A_198 : memref<13164x4x512xf32, #tpu.memory_space<hbm>>) dst(%arg16 : memref<16x4x512xf32, #tpu.memory_space<vmem>>)
      "tpu.region"() ({
        %run_scoped3A = tpu.sem_alloc : memref<!tpu.dma_semaphore, #tpu.memory_space<semaphore_mem>>
        %dma_start3A_200 = arith.constant 0 : i32
        %dma_start3A_201 = arith.constant 0 : i32
        %dma_start3A_202 = tpu.memref_slice %arg8[%add3A_186, %dma_start3A_200, %dma_start3A_201] : memref<1024x4x512xf32, #tpu.memory_space<hbm>> -> memref<16x4x512xf32, #tpu.memory_space<hbm>>
        %dma_start3A_203 = arith.constant 0 : i32
        %dma_start3A_204 = arith.constant 0 : i32
        %dma_start3A_205 = tpu.memref_slice %arg8[%add3A_186, %dma_start3A_203, %dma_start3A_204] : memref<1024x4x512xf32, #tpu.memory_space<hbm>> -> memref<16x4x512xf32, #tpu.memory_space<hbm>>
        tpu.enqueue_dma source(%arg16 : memref<16x4x512xf32, #tpu.memory_space<vmem>>) target(%dma_start3A_205 : memref<16x4x512xf32, #tpu.memory_space<hbm>>) target_semaphore(%run_scoped3A : memref<!tpu.dma_semaphore, #tpu.memory_space<semaphore_mem>>)
        %dma_wait3A_206 = arith.constant 0 : i32
        %dma_wait3A_207 = arith.constant 0 : i32
        %dma_wait3A_208 = tpu.memref_slice %arg8[%add3A_186, %dma_wait3A_206, %dma_wait3A_207] : memref<1024x4x512xf32, #tpu.memory_space<hbm>> -> memref<16x4x512xf32, #tpu.memory_space<hbm>>
        %dma_wait3A_209 = arith.constant 0 : i32
        %dma_wait3A_210 = arith.constant 0 : i32
        %dma_wait3A_211 = tpu.memref_slice %arg8[%add3A_186, %dma_wait3A_209, %dma_wait3A_210] : memref<1024x4x512xf32, #tpu.memory_space<hbm>> -> memref<16x4x512xf32, #tpu.memory_space<hbm>>
        tpu.wait_dma2 semaphore(%run_scoped3A : memref<!tpu.dma_semaphore, #tpu.memory_space<semaphore_mem>>) src(%arg16 : memref<16x4x512xf32, #tpu.memory_space<vmem>>) dst(%dma_wait3A_211 : memref<16x4x512xf32, #tpu.memory_space<hbm>>)
        tpu.yield
      }) : () -> ()
      %scan3A_199 = arith.constant 0 : i32
      scf.yield %scan3A_199 : i32
    }
    %scan3A_49 = arith.constant 2 : i32
    %dma_start3A = arith.constant 0 : i32
    %dma_start3A_50 = tpu.memref_slice %arg9[%dma_start3A, %mul3A_36] : memref<32x128xi32, #tpu.memory_space<vmem>> -> memref<1x32xi32, #tpu.memory_space<vmem>>
    %dma_start3A_51 = tpu.memref_squeeze %dma_start3A_50 : memref<1x32xi32, #tpu.memory_space<vmem>> -> memref<32xi32, #tpu.memory_space<vmem>>
    %dma_start3A_52 = arith.constant 0 : i32
    %dma_start3A_53 = arith.constant 0 : i32
    %dma_start3A_54 = tpu.memref_slice %arg4[%dma_start3A_52, %dma_start3A_53] : memref<49408x512xf32, #tpu.memory_space<hbm>> -> memref<49408x512xf32, #tpu.memory_space<hbm>>
    tpu.enqueue_indirect_dma source(%dma_start3A_54 : memref<49408x512xf32, #tpu.memory_space<hbm>>) target(%arg12 : memref<32x512xf32, #tpu.memory_space<vmem>>) offsets(%dma_start3A_51 : memref<32xi32, #tpu.memory_space<vmem>>) semaphore(%arg19 : memref<!tpu.dma_semaphore, #tpu.memory_space<semaphore_mem>>)
    %dma_start3A_55 = arith.constant 1 : i32
    %dma_start3A_56 = tpu.memref_slice %arg9[%dma_start3A_55, %mul3A_36] : memref<32x128xi32, #tpu.memory_space<vmem>> -> memref<1x32xi32, #tpu.memory_space<vmem>>
    %dma_start3A_57 = tpu.memref_squeeze %dma_start3A_56 : memref<1x32xi32, #tpu.memory_space<vmem>> -> memref<32xi32, #tpu.memory_space<vmem>>
    %dma_start3A_58 = arith.constant 0 : i32
    %dma_start3A_59 = arith.constant 0 : i32
    %dma_start3A_60 = tpu.memref_slice %arg4[%dma_start3A_58, %dma_start3A_59] : memref<49408x512xf32, #tpu.memory_space<hbm>> -> memref<49408x512xf32, #tpu.memory_space<hbm>>
    tpu.enqueue_indirect_dma source(%dma_start3A_60 : memref<49408x512xf32, #tpu.memory_space<hbm>>) target(%arg13 : memref<32x512xf32, #tpu.memory_space<vmem>>) offsets(%dma_start3A_57 : memref<32xi32, #tpu.memory_space<vmem>>) semaphore(%arg20 : memref<!tpu.dma_semaphore, #tpu.memory_space<semaphore_mem>>)
    %dma_start3A_61 = arith.constant 2 : i32
    %dma_start3A_62 = tpu.memref_slice %arg9[%dma_start3A_61, %mul3A_36] : memref<32x128xi32, #tpu.memory_space<vmem>> -> memref<1x32xi32, #tpu.memory_space<vmem>>
    %dma_start3A_63 = tpu.memref_squeeze %dma_start3A_62 : memref<1x32xi32, #tpu.memory_space<vmem>> -> memref<32xi32, #tpu.memory_space<vmem>>
    %dma_start3A_64 = arith.constant 0 : i32
    %dma_start3A_65 = arith.constant 0 : i32
    %dma_start3A_66 = tpu.memref_slice %arg4[%dma_start3A_64, %dma_start3A_65] : memref<49408x512xf32, #tpu.memory_space<hbm>> -> memref<49408x512xf32, #tpu.memory_space<hbm>>
    tpu.enqueue_indirect_dma source(%dma_start3A_66 : memref<49408x512xf32, #tpu.memory_space<hbm>>) target(%arg14 : memref<32x512xf32, #tpu.memory_space<vmem>>) offsets(%dma_start3A_63 : memref<32xi32, #tpu.memory_space<vmem>>) semaphore(%arg21 : memref<!tpu.dma_semaphore, #tpu.memory_space<semaphore_mem>>)
    %dma_start3A_67 = arith.constant 3 : i32
    %dma_start3A_68 = tpu.memref_slice %arg9[%dma_start3A_67, %mul3A_36] : memref<32x128xi32, #tpu.memory_space<vmem>> -> memref<1x32xi32, #tpu.memory_space<vmem>>
    %dma_start3A_69 = tpu.memref_squeeze %dma_start3A_68 : memref<1x32xi32, #tpu.memory_space<vmem>> -> memref<32xi32, #tpu.memory_space<vmem>>
    %dma_start3A_70 = arith.constant 0 : i32
    %dma_start3A_71 = arith.constant 0 : i32
    %dma_start3A_72 = tpu.memref_slice %arg4[%dma_start3A_70, %dma_start3A_71] : memref<49408x512xf32, #tpu.memory_space<hbm>> -> memref<49408x512xf32, #tpu.memory_space<hbm>>
    tpu.enqueue_indirect_dma source(%dma_start3A_72 : memref<49408x512xf32, #tpu.memory_space<hbm>>) target(%arg15 : memref<32x512xf32, #tpu.memory_space<vmem>>) offsets(%dma_start3A_69 : memref<32xi32, #tpu.memory_space<vmem>>) semaphore(%arg22 : memref<!tpu.dma_semaphore, #tpu.memory_space<semaphore_mem>>)
    %scan3A_73 = arith.constant 0 : i32
    %scan3A_74 = arith.constant 0 : i32
    %scan3A_75 = arith.constant 7 : i32
    %scan3A_76 = arith.addi %scan3A_74, %scan3A_75 : i32
    %scan3A_77 = arith.constant 1 : i32
    %scan3A_78 = scf.for %scan3A_182 = %scan3A_74 to %scan3A_76 step %scan3A_77 iter_args(%scan3A_183 = %scan3A_73) -> (i32)  : i32 {
      %mul3A_184 = arith.constant 4 : i32
      %mul3A_185 = arith.muli %scan3A_182, %mul3A_184 : i32
      %add3A_186 = arith.constant 0 : i32
      %add3A_187 = arith.addi %mul3A_185, %add3A_186 : i32
      %dma_wait3A_188 = tpu.memref_slice %arg9[%add3A_187, %mul3A_36] : memref<32x128xi32, #tpu.memory_space<vmem>> -> memref<1x32xi32, #tpu.memory_space<vmem>>
      %dma_wait3A_189 = tpu.memref_squeeze %dma_wait3A_188 : memref<1x32xi32, #tpu.memory_space<vmem>> -> memref<32xi32, #tpu.memory_space<vmem>>
      %dma_wait3A_190 = arith.constant 0 : i32
      %dma_wait3A_191 = arith.constant 0 : i32
      %dma_wait3A_192 = tpu.memref_slice %arg4[%dma_wait3A_190, %dma_wait3A_191] : memref<49408x512xf32, #tpu.memory_space<hbm>> -> memref<49408x512xf32, #tpu.memory_space<hbm>>
      tpu.wait_indirect_dma semaphore(%arg19 : memref<!tpu.dma_semaphore, #tpu.memory_space<semaphore_mem>>) src(%dma_wait3A_192 : memref<49408x512xf32, #tpu.memory_space<hbm>>) dst(%arg12 : memref<32x512xf32, #tpu.memory_space<vmem>>)
      %ge3A = arith.constant 12 : i32
      %ge3A_193 = arith.cmpi sge, %add3A_187, %ge3A : i32
      %jit3A_194 = arith.constant 4 : i32
      %jit3A_195 = arith.constant 0 : i32
      %select_n3A_196 = arith.select %ge3A_193, %jit3A_194, %jit3A_195 : i32
      %add3A_197 = arith.addi %add3A_187, %select_n3A_196 : i32
      %dma_start3A_198 = arith.constant 0 : i32
      %dma_start3A_199 = tpu.memref_slice %arg7[%add3A_197, %mul3A_2, %dma_start3A_198] : memref<77x1024x512xf32, #tpu.memory_space<hbm>> -> memref<1x32x512xf32, #tpu.memory_space<hbm>>
      %dma_start3A_200 = tpu.memref_squeeze %dma_start3A_199 : memref<1x32x512xf32, #tpu.memory_space<hbm>> -> memref<32x512xf32, #tpu.memory_space<hbm>>
      %dma_start3A_201 = arith.constant 0 : i32
      %dma_start3A_202 = tpu.memref_slice %arg7[%add3A_197, %mul3A_2, %dma_start3A_201] : memref<77x1024x512xf32, #tpu.memory_space<hbm>> -> memref<1x32x512xf32, #tpu.memory_space<hbm>>
      %dma_start3A_203 = tpu.memref_squeeze %dma_start3A_202 : memref<1x32x512xf32, #tpu.memory_space<hbm>> -> memref<32x512xf32, #tpu.memory_space<hbm>>
      tpu.enqueue_dma source(%arg12 : memref<32x512xf32, #tpu.memory_space<vmem>>) target(%dma_start3A_203 : memref<32x512xf32, #tpu.memory_space<hbm>>) target_semaphore(%arg23 : memref<!tpu.dma_semaphore, #tpu.memory_space<semaphore_mem>>)
      %mul3A_204 = arith.constant 4 : i32
      %mul3A_205 = arith.muli %scan3A_182, %mul3A_204 : i32
      %add3A_206 = arith.constant 1 : i32
      %add3A_207 = arith.addi %mul3A_205, %add3A_206 : i32
      %dma_wait3A_208 = tpu.memref_slice %arg9[%add3A_207, %mul3A_36] : memref<32x128xi32, #tpu.memory_space<vmem>> -> memref<1x32xi32, #tpu.memory_space<vmem>>
      %dma_wait3A_209 = tpu.memref_squeeze %dma_wait3A_208 : memref<1x32xi32, #tpu.memory_space<vmem>> -> memref<32xi32, #tpu.memory_space<vmem>>
      %dma_wait3A_210 = arith.constant 0 : i32
      %dma_wait3A_211 = arith.constant 0 : i32
      %dma_wait3A_212 = tpu.memref_slice %arg4[%dma_wait3A_210, %dma_wait3A_211] : memref<49408x512xf32, #tpu.memory_space<hbm>> -> memref<49408x512xf32, #tpu.memory_space<hbm>>
      tpu.wait_indirect_dma semaphore(%arg20 : memref<!tpu.dma_semaphore, #tpu.memory_space<semaphore_mem>>) src(%dma_wait3A_212 : memref<49408x512xf32, #tpu.memory_space<hbm>>) dst(%arg13 : memref<32x512xf32, #tpu.memory_space<vmem>>)
      %ge3A_213 = arith.constant 12 : i32
      %ge3A_214 = arith.cmpi sge, %add3A_207, %ge3A_213 : i32
      %jit3A_215 = arith.constant 4 : i32
      %jit3A_216 = arith.constant 0 : i32
      %select_n3A_217 = arith.select %ge3A_214, %jit3A_215, %jit3A_216 : i32
      %add3A_218 = arith.addi %add3A_207, %select_n3A_217 : i32
      %dma_start3A_219 = arith.constant 0 : i32
      %dma_start3A_220 = tpu.memref_slice %arg7[%add3A_218, %mul3A_2, %dma_start3A_219] : memref<77x1024x512xf32, #tpu.memory_space<hbm>> -> memref<1x32x512xf32, #tpu.memory_space<hbm>>
      %dma_start3A_221 = tpu.memref_squeeze %dma_start3A_220 : memref<1x32x512xf32, #tpu.memory_space<hbm>> -> memref<32x512xf32, #tpu.memory_space<hbm>>
      %dma_start3A_222 = arith.constant 0 : i32
      %dma_start3A_223 = tpu.memref_slice %arg7[%add3A_218, %mul3A_2, %dma_start3A_222] : memref<77x1024x512xf32, #tpu.memory_space<hbm>> -> memref<1x32x512xf32, #tpu.memory_space<hbm>>
      %dma_start3A_224 = tpu.memref_squeeze %dma_start3A_223 : memref<1x32x512xf32, #tpu.memory_space<hbm>> -> memref<32x512xf32, #tpu.memory_space<hbm>>
      tpu.enqueue_dma source(%arg13 : memref<32x512xf32, #tpu.memory_space<vmem>>) target(%dma_start3A_224 : memref<32x512xf32, #tpu.memory_space<hbm>>) target_semaphore(%arg24 : memref<!tpu.dma_semaphore, #tpu.memory_space<semaphore_mem>>)
      %mul3A_225 = arith.constant 4 : i32
      %mul3A_226 = arith.muli %scan3A_182, %mul3A_225 : i32
      %add3A_227 = arith.constant 2 : i32
      %add3A_228 = arith.addi %mul3A_226, %add3A_227 : i32
      %dma_wait3A_229 = tpu.memref_slice %arg9[%add3A_228, %mul3A_36] : memref<32x128xi32, #tpu.memory_space<vmem>> -> memref<1x32xi32, #tpu.memory_space<vmem>>
      %dma_wait3A_230 = tpu.memref_squeeze %dma_wait3A_229 : memref<1x32xi32, #tpu.memory_space<vmem>> -> memref<32xi32, #tpu.memory_space<vmem>>
      %dma_wait3A_231 = arith.constant 0 : i32
      %dma_wait3A_232 = arith.constant 0 : i32
      %dma_wait3A_233 = tpu.memref_slice %arg4[%dma_wait3A_231, %dma_wait3A_232] : memref<49408x512xf32, #tpu.memory_space<hbm>> -> memref<49408x512xf32, #tpu.memory_space<hbm>>
      tpu.wait_indirect_dma semaphore(%arg21 : memref<!tpu.dma_semaphore, #tpu.memory_space<semaphore_mem>>) src(%dma_wait3A_233 : memref<49408x512xf32, #tpu.memory_space<hbm>>) dst(%arg14 : memref<32x512xf32, #tpu.memory_space<vmem>>)
      %ge3A_234 = arith.constant 12 : i32
      %ge3A_235 = arith.cmpi sge, %add3A_228, %ge3A_234 : i32
      %jit3A_236 = arith.constant 4 : i32
      %jit3A_237 = arith.constant 0 : i32
      %select_n3A_238 = arith.select %ge3A_235, %jit3A_236, %jit3A_237 : i32
      %add3A_239 = arith.addi %add3A_228, %select_n3A_238 : i32
      %dma_start3A_240 = arith.constant 0 : i32
      %dma_start3A_241 = tpu.memref_slice %arg7[%add3A_239, %mul3A_2, %dma_start3A_240] : memref<77x1024x512xf32, #tpu.memory_space<hbm>> -> memref<1x32x512xf32, #tpu.memory_space<hbm>>
      %dma_start3A_242 = tpu.memref_squeeze %dma_start3A_241 : memref<1x32x512xf32, #tpu.memory_space<hbm>> -> memref<32x512xf32, #tpu.memory_space<hbm>>
      %dma_start3A_243 = arith.constant 0 : i32
      %dma_start3A_244 = tpu.memref_slice %arg7[%add3A_239, %mul3A_2, %dma_start3A_243] : memref<77x1024x512xf32, #tpu.memory_space<hbm>> -> memref<1x32x512xf32, #tpu.memory_space<hbm>>
      %dma_start3A_245 = tpu.memref_squeeze %dma_start3A_244 : memref<1x32x512xf32, #tpu.memory_space<hbm>> -> memref<32x512xf32, #tpu.memory_space<hbm>>
      tpu.enqueue_dma source(%arg14 : memref<32x512xf32, #tpu.memory_space<vmem>>) target(%dma_start3A_245 : memref<32x512xf32, #tpu.memory_space<hbm>>) target_semaphore(%arg25 : memref<!tpu.dma_semaphore, #tpu.memory_space<semaphore_mem>>)
      %mul3A_246 = arith.constant 4 : i32
      %mul3A_247 = arith.muli %scan3A_182, %mul3A_246 : i32
      %add3A_248 = arith.constant 3 : i32
      %add3A_249 = arith.addi %mul3A_247, %add3A_248 : i32
      %dma_wait3A_250 = tpu.memref_slice %arg9[%add3A_249, %mul3A_36] : memref<32x128xi32, #tpu.memory_space<vmem>> -> memref<1x32xi32, #tpu.memory_space<vmem>>
      %dma_wait3A_251 = tpu.memref_squeeze %dma_wait3A_250 : memref<1x32xi32, #tpu.memory_space<vmem>> -> memref<32xi32, #tpu.memory_space<vmem>>
      %dma_wait3A_252 = arith.constant 0 : i32
      %dma_wait3A_253 = arith.constant 0 : i32
      %dma_wait3A_254 = tpu.memref_slice %arg4[%dma_wait3A_252, %dma_wait3A_253] : memref<49408x512xf32, #tpu.memory_space<hbm>> -> memref<49408x512xf32, #tpu.memory_space<hbm>>
      tpu.wait_indirect_dma semaphore(%arg22 : memref<!tpu.dma_semaphore, #tpu.memory_space<semaphore_mem>>) src(%dma_wait3A_254 : memref<49408x512xf32, #tpu.memory_space<hbm>>) dst(%arg15 : memref<32x512xf32, #tpu.memory_space<vmem>>)
      %ge3A_255 = arith.constant 12 : i32
      %ge3A_256 = arith.cmpi sge, %add3A_249, %ge3A_255 : i32
      %jit3A_257 = arith.constant 4 : i32
      %jit3A_258 = arith.constant 0 : i32
      %select_n3A_259 = arith.select %ge3A_256, %jit3A_257, %jit3A_258 : i32
      %add3A_260 = arith.addi %add3A_249, %select_n3A_259 : i32
      %dma_start3A_261 = arith.constant 0 : i32
      %dma_start3A_262 = tpu.memref_slice %arg7[%add3A_260, %mul3A_2, %dma_start3A_261] : memref<77x1024x512xf32, #tpu.memory_space<hbm>> -> memref<1x32x512xf32, #tpu.memory_space<hbm>>
      %dma_start3A_263 = tpu.memref_squeeze %dma_start3A_262 : memref<1x32x512xf32, #tpu.memory_space<hbm>> -> memref<32x512xf32, #tpu.memory_space<hbm>>
      %dma_start3A_264 = arith.constant 0 : i32
      %dma_start3A_265 = tpu.memref_slice %arg7[%add3A_260, %mul3A_2, %dma_start3A_264] : memref<77x1024x512xf32, #tpu.memory_space<hbm>> -> memref<1x32x512xf32, #tpu.memory_space<hbm>>
      %dma_start3A_266 = tpu.memref_squeeze %dma_start3A_265 : memref<1x32x512xf32, #tpu.memory_space<hbm>> -> memref<32x512xf32, #tpu.memory_space<hbm>>
      tpu.enqueue_dma source(%arg15 : memref<32x512xf32, #tpu.memory_space<vmem>>) target(%dma_start3A_266 : memref<32x512xf32, #tpu.memory_space<hbm>>) target_semaphore(%arg26 : memref<!tpu.dma_semaphore, #tpu.memory_space<semaphore_mem>>)
      %dma_wait3A_267 = arith.constant 0 : i32
      %dma_wait3A_268 = tpu.memref_slice %arg7[%add3A_197, %mul3A_2, %dma_wait3A_267] : memref<77x1024x512xf32, #tpu.memory_space<hbm>> -> memref<1x32x512xf32, #tpu.memory_space<hbm>>
      %dma_wait3A_269 = tpu.memref_squeeze %dma_wait3A_268 : memref<1x32x512xf32, #tpu.memory_space<hbm>> -> memref<32x512xf32, #tpu.memory_space<hbm>>
      %dma_wait3A_270 = arith.constant 0 : i32
      %dma_wait3A_271 = tpu.memref_slice %arg7[%add3A_197, %mul3A_2, %dma_wait3A_270] : memref<77x1024x512xf32, #tpu.memory_space<hbm>> -> memref<1x32x512xf32, #tpu.memory_space<hbm>>
      %dma_wait3A_272 = tpu.memref_squeeze %dma_wait3A_271 : memref<1x32x512xf32, #tpu.memory_space<hbm>> -> memref<32x512xf32, #tpu.memory_space<hbm>>
      tpu.wait_dma2 semaphore(%arg23 : memref<!tpu.dma_semaphore, #tpu.memory_space<semaphore_mem>>) src(%arg12 : memref<32x512xf32, #tpu.memory_space<vmem>>) dst(%dma_wait3A_272 : memref<32x512xf32, #tpu.memory_space<hbm>>)
      %add3A_273 = arith.constant 1 : i32
      %add3A_274 = arith.addi %scan3A_182, %add3A_273 : i32
      %mul3A_275 = arith.constant 4 : i32
      %mul3A_276 = arith.muli %add3A_274, %mul3A_275 : i32
      %add3A_277 = arith.constant 0 : i32
      %add3A_278 = arith.addi %mul3A_276, %add3A_277 : i32
      %dma_start3A_279 = tpu.memref_slice %arg9[%add3A_278, %mul3A_36] : memref<32x128xi32, #tpu.memory_space<vmem>> -> memref<1x32xi32, #tpu.memory_space<vmem>>
      %dma_start3A_280 = tpu.memref_squeeze %dma_start3A_279 : memref<1x32xi32, #tpu.memory_space<vmem>> -> memref<32xi32, #tpu.memory_space<vmem>>
      %dma_start3A_281 = arith.constant 0 : i32
      %dma_start3A_282 = arith.constant 0 : i32
      %dma_start3A_283 = tpu.memref_slice %arg4[%dma_start3A_281, %dma_start3A_282] : memref<49408x512xf32, #tpu.memory_space<hbm>> -> memref<49408x512xf32, #tpu.memory_space<hbm>>
      tpu.enqueue_indirect_dma source(%dma_start3A_283 : memref<49408x512xf32, #tpu.memory_space<hbm>>) target(%arg12 : memref<32x512xf32, #tpu.memory_space<vmem>>) offsets(%dma_start3A_280 : memref<32xi32, #tpu.memory_space<vmem>>) semaphore(%arg19 : memref<!tpu.dma_semaphore, #tpu.memory_space<semaphore_mem>>)
      %dma_wait3A_284 = arith.constant 0 : i32
      %dma_wait3A_285 = tpu.memref_slice %arg7[%add3A_218, %mul3A_2, %dma_wait3A_284] : memref<77x1024x512xf32, #tpu.memory_space<hbm>> -> memref<1x32x512xf32, #tpu.memory_space<hbm>>
      %dma_wait3A_286 = tpu.memref_squeeze %dma_wait3A_285 : memref<1x32x512xf32, #tpu.memory_space<hbm>> -> memref<32x512xf32, #tpu.memory_space<hbm>>
      %dma_wait3A_287 = arith.constant 0 : i32
      %dma_wait3A_288 = tpu.memref_slice %arg7[%add3A_218, %mul3A_2, %dma_wait3A_287] : memref<77x1024x512xf32, #tpu.memory_space<hbm>> -> memref<1x32x512xf32, #tpu.memory_space<hbm>>
      %dma_wait3A_289 = tpu.memref_squeeze %dma_wait3A_288 : memref<1x32x512xf32, #tpu.memory_space<hbm>> -> memref<32x512xf32, #tpu.memory_space<hbm>>
      tpu.wait_dma2 semaphore(%arg24 : memref<!tpu.dma_semaphore, #tpu.memory_space<semaphore_mem>>) src(%arg13 : memref<32x512xf32, #tpu.memory_space<vmem>>) dst(%dma_wait3A_289 : memref<32x512xf32, #tpu.memory_space<hbm>>)
      %add3A_290 = arith.constant 1 : i32
      %add3A_291 = arith.addi %scan3A_182, %add3A_290 : i32
      %mul3A_292 = arith.constant 4 : i32
      %mul3A_293 = arith.muli %add3A_291, %mul3A_292 : i32
      %add3A_294 = arith.constant 1 : i32
      %add3A_295 = arith.addi %mul3A_293, %add3A_294 : i32
      %dma_start3A_296 = tpu.memref_slice %arg9[%add3A_295, %mul3A_36] : memref<32x128xi32, #tpu.memory_space<vmem>> -> memref<1x32xi32, #tpu.memory_space<vmem>>
      %dma_start3A_297 = tpu.memref_squeeze %dma_start3A_296 : memref<1x32xi32, #tpu.memory_space<vmem>> -> memref<32xi32, #tpu.memory_space<vmem>>
      %dma_start3A_298 = arith.constant 0 : i32
      %dma_start3A_299 = arith.constant 0 : i32
      %dma_start3A_300 = tpu.memref_slice %arg4[%dma_start3A_298, %dma_start3A_299] : memref<49408x512xf32, #tpu.memory_space<hbm>> -> memref<49408x512xf32, #tpu.memory_space<hbm>>
      tpu.enqueue_indirect_dma source(%dma_start3A_300 : memref<49408x512xf32, #tpu.memory_space<hbm>>) target(%arg13 : memref<32x512xf32, #tpu.memory_space<vmem>>) offsets(%dma_start3A_297 : memref<32xi32, #tpu.memory_space<vmem>>) semaphore(%arg20 : memref<!tpu.dma_semaphore, #tpu.memory_space<semaphore_mem>>)
      %dma_wait3A_301 = arith.constant 0 : i32
      %dma_wait3A_302 = tpu.memref_slice %arg7[%add3A_239, %mul3A_2, %dma_wait3A_301] : memref<77x1024x512xf32, #tpu.memory_space<hbm>> -> memref<1x32x512xf32, #tpu.memory_space<hbm>>
      %dma_wait3A_303 = tpu.memref_squeeze %dma_wait3A_302 : memref<1x32x512xf32, #tpu.memory_space<hbm>> -> memref<32x512xf32, #tpu.memory_space<hbm>>
      %dma_wait3A_304 = arith.constant 0 : i32
      %dma_wait3A_305 = tpu.memref_slice %arg7[%add3A_239, %mul3A_2, %dma_wait3A_304] : memref<77x1024x512xf32, #tpu.memory_space<hbm>> -> memref<1x32x512xf32, #tpu.memory_space<hbm>>
      %dma_wait3A_306 = tpu.memref_squeeze %dma_wait3A_305 : memref<1x32x512xf32, #tpu.memory_space<hbm>> -> memref<32x512xf32, #tpu.memory_space<hbm>>
      tpu.wait_dma2 semaphore(%arg25 : memref<!tpu.dma_semaphore, #tpu.memory_space<semaphore_mem>>) src(%arg14 : memref<32x512xf32, #tpu.memory_space<vmem>>) dst(%dma_wait3A_306 : memref<32x512xf32, #tpu.memory_space<hbm>>)
      %add3A_307 = arith.constant 1 : i32
      %add3A_308 = arith.addi %scan3A_182, %add3A_307 : i32
      %mul3A_309 = arith.constant 4 : i32
      %mul3A_310 = arith.muli %add3A_308, %mul3A_309 : i32
      %add3A_311 = arith.constant 2 : i32
      %add3A_312 = arith.addi %mul3A_310, %add3A_311 : i32
      %dma_start3A_313 = tpu.memref_slice %arg9[%add3A_312, %mul3A_36] : memref<32x128xi32, #tpu.memory_space<vmem>> -> memref<1x32xi32, #tpu.memory_space<vmem>>
      %dma_start3A_314 = tpu.memref_squeeze %dma_start3A_313 : memref<1x32xi32, #tpu.memory_space<vmem>> -> memref<32xi32, #tpu.memory_space<vmem>>
      %dma_start3A_315 = arith.constant 0 : i32
      %dma_start3A_316 = arith.constant 0 : i32
      %dma_start3A_317 = tpu.memref_slice %arg4[%dma_start3A_315, %dma_start3A_316] : memref<49408x512xf32, #tpu.memory_space<hbm>> -> memref<49408x512xf32, #tpu.memory_space<hbm>>
      tpu.enqueue_indirect_dma source(%dma_start3A_317 : memref<49408x512xf32, #tpu.memory_space<hbm>>) target(%arg14 : memref<32x512xf32, #tpu.memory_space<vmem>>) offsets(%dma_start3A_314 : memref<32xi32, #tpu.memory_space<vmem>>) semaphore(%arg21 : memref<!tpu.dma_semaphore, #tpu.memory_space<semaphore_mem>>)
      %dma_wait3A_318 = arith.constant 0 : i32
      %dma_wait3A_319 = tpu.memref_slice %arg7[%add3A_260, %mul3A_2, %dma_wait3A_318] : memref<77x1024x512xf32, #tpu.memory_space<hbm>> -> memref<1x32x512xf32, #tpu.memory_space<hbm>>
      %dma_wait3A_320 = tpu.memref_squeeze %dma_wait3A_319 : memref<1x32x512xf32, #tpu.memory_space<hbm>> -> memref<32x512xf32, #tpu.memory_space<hbm>>
      %dma_wait3A_321 = arith.constant 0 : i32
      %dma_wait3A_322 = tpu.memref_slice %arg7[%add3A_260, %mul3A_2, %dma_wait3A_321] : memref<77x1024x512xf32, #tpu.memory_space<hbm>> -> memref<1x32x512xf32, #tpu.memory_space<hbm>>
      %dma_wait3A_323 = tpu.memref_squeeze %dma_wait3A_322 : memref<1x32x512xf32, #tpu.memory_space<hbm>> -> memref<32x512xf32, #tpu.memory_space<hbm>>
      tpu.wait_dma2 semaphore(%arg26 : memref<!tpu.dma_semaphore, #tpu.memory_space<semaphore_mem>>) src(%arg15 : memref<32x512xf32, #tpu.memory_space<vmem>>) dst(%dma_wait3A_323 : memref<32x512xf32, #tpu.memory_space<hbm>>)
      %add3A_324 = arith.constant 1 : i32
      %add3A_325 = arith.addi %scan3A_182, %add3A_324 : i32
      %mul3A_326 = arith.constant 4 : i32
      %mul3A_327 = arith.muli %add3A_325, %mul3A_326 : i32
      %add3A_328 = arith.constant 3 : i32
      %add3A_329 = arith.addi %mul3A_327, %add3A_328 : i32
      %dma_start3A_330 = tpu.memref_slice %arg9[%add3A_329, %mul3A_36] : memref<32x128xi32, #tpu.memory_space<vmem>> -> memref<1x32xi32, #tpu.memory_space<vmem>>
      %dma_start3A_331 = tpu.memref_squeeze %dma_start3A_330 : memref<1x32xi32, #tpu.memory_space<vmem>> -> memref<32xi32, #tpu.memory_space<vmem>>
      %dma_start3A_332 = arith.constant 0 : i32
      %dma_start3A_333 = arith.constant 0 : i32
      %dma_start3A_334 = tpu.memref_slice %arg4[%dma_start3A_332, %dma_start3A_333] : memref<49408x512xf32, #tpu.memory_space<hbm>> -> memref<49408x512xf32, #tpu.memory_space<hbm>>
      tpu.enqueue_indirect_dma source(%dma_start3A_334 : memref<49408x512xf32, #tpu.memory_space<hbm>>) target(%arg15 : memref<32x512xf32, #tpu.memory_space<vmem>>) offsets(%dma_start3A_331 : memref<32xi32, #tpu.memory_space<vmem>>) semaphore(%arg22 : memref<!tpu.dma_semaphore, #tpu.memory_space<semaphore_mem>>)
      %scan3A_335 = arith.constant 0 : i32
      scf.yield %scan3A_335 : i32
    }
    %scan3A_79 = arith.constant 7 : i32
    %dma_wait3A = arith.constant 28 : i32
    %dma_wait3A_80 = tpu.memref_slice %arg9[%dma_wait3A, %mul3A_36] : memref<32x128xi32, #tpu.memory_space<vmem>> -> memref<1x32xi32, #tpu.memory_space<vmem>>
    %dma_wait3A_81 = tpu.memref_squeeze %dma_wait3A_80 : memref<1x32xi32, #tpu.memory_space<vmem>> -> memref<32xi32, #tpu.memory_space<vmem>>
    %dma_wait3A_82 = arith.constant 0 : i32
    %dma_wait3A_83 = arith.constant 0 : i32
    %dma_wait3A_84 = tpu.memref_slice %arg4[%dma_wait3A_82, %dma_wait3A_83] : memref<49408x512xf32, #tpu.memory_space<hbm>> -> memref<49408x512xf32, #tpu.memory_space<hbm>>
    tpu.wait_indirect_dma semaphore(%arg19 : memref<!tpu.dma_semaphore, #tpu.memory_space<semaphore_mem>>) src(%dma_wait3A_84 : memref<49408x512xf32, #tpu.memory_space<hbm>>) dst(%arg12 : memref<32x512xf32, #tpu.memory_space<vmem>>)
    %jit3A_85 = arith.constant true
    %jit3A_86 = arith.constant 4 : i32
    %jit3A_87 = arith.constant 0 : i32
    %select_n3A_88 = arith.select %jit3A_85, %jit3A_86, %jit3A_87 : i32
    %add3A_89 = arith.constant 28 : i32
    %add3A_90 = arith.addi %add3A_89, %select_n3A_88 : i32
    %dma_start3A_91 = arith.constant 0 : i32
    %dma_start3A_92 = tpu.memref_slice %arg7[%add3A_90, %mul3A_2, %dma_start3A_91] : memref<77x1024x512xf32, #tpu.memory_space<hbm>> -> memref<1x32x512xf32, #tpu.memory_space<hbm>>
    %dma_start3A_93 = tpu.memref_squeeze %dma_start3A_92 : memref<1x32x512xf32, #tpu.memory_space<hbm>> -> memref<32x512xf32, #tpu.memory_space<hbm>>
    %dma_start3A_94 = arith.constant 0 : i32
    %dma_start3A_95 = tpu.memref_slice %arg7[%add3A_90, %mul3A_2, %dma_start3A_94] : memref<77x1024x512xf32, #tpu.memory_space<hbm>> -> memref<1x32x512xf32, #tpu.memory_space<hbm>>
    %dma_start3A_96 = tpu.memref_squeeze %dma_start3A_95 : memref<1x32x512xf32, #tpu.memory_space<hbm>> -> memref<32x512xf32, #tpu.memory_space<hbm>>
    tpu.enqueue_dma source(%arg12 : memref<32x512xf32, #tpu.memory_space<vmem>>) target(%dma_start3A_96 : memref<32x512xf32, #tpu.memory_space<hbm>>) target_semaphore(%arg23 : memref<!tpu.dma_semaphore, #tpu.memory_space<semaphore_mem>>)
    %dma_wait3A_97 = arith.constant 0 : i32
    %dma_wait3A_98 = tpu.memref_slice %arg7[%add3A_90, %mul3A_2, %dma_wait3A_97] : memref<77x1024x512xf32, #tpu.memory_space<hbm>> -> memref<1x32x512xf32, #tpu.memory_space<hbm>>
    %dma_wait3A_99 = tpu.memref_squeeze %dma_wait3A_98 : memref<1x32x512xf32, #tpu.memory_space<hbm>> -> memref<32x512xf32, #tpu.memory_space<hbm>>
    %dma_wait3A_100 = arith.constant 0 : i32
    %dma_wait3A_101 = tpu.memref_slice %arg7[%add3A_90, %mul3A_2, %dma_wait3A_100] : memref<77x1024x512xf32, #tpu.memory_space<hbm>> -> memref<1x32x512xf32, #tpu.memory_space<hbm>>
    %dma_wait3A_102 = tpu.memref_squeeze %dma_wait3A_101 : memref<1x32x512xf32, #tpu.memory_space<hbm>> -> memref<32x512xf32, #tpu.memory_space<hbm>>
    tpu.wait_dma2 semaphore(%arg23 : memref<!tpu.dma_semaphore, #tpu.memory_space<semaphore_mem>>) src(%arg12 : memref<32x512xf32, #tpu.memory_space<vmem>>) dst(%dma_wait3A_102 : memref<32x512xf32, #tpu.memory_space<hbm>>)
    %dma_wait3A_103 = arith.constant 29 : i32
    %dma_wait3A_104 = tpu.memref_slice %arg9[%dma_wait3A_103, %mul3A_36] : memref<32x128xi32, #tpu.memory_space<vmem>> -> memref<1x32xi32, #tpu.memory_space<vmem>>
    %dma_wait3A_105 = tpu.memref_squeeze %dma_wait3A_104 : memref<1x32xi32, #tpu.memory_space<vmem>> -> memref<32xi32, #tpu.memory_space<vmem>>
    %dma_wait3A_106 = arith.constant 0 : i32
    %dma_wait3A_107 = arith.constant 0 : i32
    %dma_wait3A_108 = tpu.memref_slice %arg4[%dma_wait3A_106, %dma_wait3A_107] : memref<49408x512xf32, #tpu.memory_space<hbm>> -> memref<49408x512xf32, #tpu.memory_space<hbm>>
    tpu.wait_indirect_dma semaphore(%arg20 : memref<!tpu.dma_semaphore, #tpu.memory_space<semaphore_mem>>) src(%dma_wait3A_108 : memref<49408x512xf32, #tpu.memory_space<hbm>>) dst(%arg13 : memref<32x512xf32, #tpu.memory_space<vmem>>)
    %jit3A_109 = arith.constant true
    %jit3A_110 = arith.constant 4 : i32
    %jit3A_111 = arith.constant 0 : i32
    %select_n3A_112 = arith.select %jit3A_109, %jit3A_110, %jit3A_111 : i32
    %add3A_113 = arith.constant 29 : i32
    %add3A_114 = arith.addi %add3A_113, %select_n3A_112 : i32
    %dma_start3A_115 = arith.constant 0 : i32
    %dma_start3A_116 = tpu.memref_slice %arg7[%add3A_114, %mul3A_2, %dma_start3A_115] : memref<77x1024x512xf32, #tpu.memory_space<hbm>> -> memref<1x32x512xf32, #tpu.memory_space<hbm>>
    %dma_start3A_117 = tpu.memref_squeeze %dma_start3A_116 : memref<1x32x512xf32, #tpu.memory_space<hbm>> -> memref<32x512xf32, #tpu.memory_space<hbm>>
    %dma_start3A_118 = arith.constant 0 : i32
    %dma_start3A_119 = tpu.memref_slice %arg7[%add3A_114, %mul3A_2, %dma_start3A_118] : memref<77x1024x512xf32, #tpu.memory_space<hbm>> -> memref<1x32x512xf32, #tpu.memory_space<hbm>>
    %dma_start3A_120 = tpu.memref_squeeze %dma_start3A_119 : memref<1x32x512xf32, #tpu.memory_space<hbm>> -> memref<32x512xf32, #tpu.memory_space<hbm>>
    tpu.enqueue_dma source(%arg13 : memref<32x512xf32, #tpu.memory_space<vmem>>) target(%dma_start3A_120 : memref<32x512xf32, #tpu.memory_space<hbm>>) target_semaphore(%arg24 : memref<!tpu.dma_semaphore, #tpu.memory_space<semaphore_mem>>)
    %dma_wait3A_121 = arith.constant 0 : i32
    %dma_wait3A_122 = tpu.memref_slice %arg7[%add3A_114, %mul3A_2, %dma_wait3A_121] : memref<77x1024x512xf32, #tpu.memory_space<hbm>> -> memref<1x32x512xf32, #tpu.memory_space<hbm>>
    %dma_wait3A_123 = tpu.memref_squeeze %dma_wait3A_122 : memref<1x32x512xf32, #tpu.memory_space<hbm>> -> memref<32x512xf32, #tpu.memory_space<hbm>>
    %dma_wait3A_124 = arith.constant 0 : i32
    %dma_wait3A_125 = tpu.memref_slice %arg7[%add3A_114, %mul3A_2, %dma_wait3A_124] : memref<77x1024x512xf32, #tpu.memory_space<hbm>> -> memref<1x32x512xf32, #tpu.memory_space<hbm>>
    %dma_wait3A_126 = tpu.memref_squeeze %dma_wait3A_125 : memref<1x32x512xf32, #tpu.memory_space<hbm>> -> memref<32x512xf32, #tpu.memory_space<hbm>>
    tpu.wait_dma2 semaphore(%arg24 : memref<!tpu.dma_semaphore, #tpu.memory_space<semaphore_mem>>) src(%arg13 : memref<32x512xf32, #tpu.memory_space<vmem>>) dst(%dma_wait3A_126 : memref<32x512xf32, #tpu.memory_space<hbm>>)
    %dma_wait3A_127 = arith.constant 30 : i32
    %dma_wait3A_128 = tpu.memref_slice %arg9[%dma_wait3A_127, %mul3A_36] : memref<32x128xi32, #tpu.memory_space<vmem>> -> memref<1x32xi32, #tpu.memory_space<vmem>>
    %dma_wait3A_129 = tpu.memref_squeeze %dma_wait3A_128 : memref<1x32xi32, #tpu.memory_space<vmem>> -> memref<32xi32, #tpu.memory_space<vmem>>
    %dma_wait3A_130 = arith.constant 0 : i32
    %dma_wait3A_131 = arith.constant 0 : i32
    %dma_wait3A_132 = tpu.memref_slice %arg4[%dma_wait3A_130, %dma_wait3A_131] : memref<49408x512xf32, #tpu.memory_space<hbm>> -> memref<49408x512xf32, #tpu.memory_space<hbm>>
    tpu.wait_indirect_dma semaphore(%arg21 : memref<!tpu.dma_semaphore, #tpu.memory_space<semaphore_mem>>) src(%dma_wait3A_132 : memref<49408x512xf32, #tpu.memory_space<hbm>>) dst(%arg14 : memref<32x512xf32, #tpu.memory_space<vmem>>)
    %jit3A_133 = arith.constant true
    %jit3A_134 = arith.constant 4 : i32
    %jit3A_135 = arith.constant 0 : i32
    %select_n3A_136 = arith.select %jit3A_133, %jit3A_134, %jit3A_135 : i32
    %add3A_137 = arith.constant 30 : i32
    %add3A_138 = arith.addi %add3A_137, %select_n3A_136 : i32
    %dma_start3A_139 = arith.constant 0 : i32
    %dma_start3A_140 = tpu.memref_slice %arg7[%add3A_138, %mul3A_2, %dma_start3A_139] : memref<77x1024x512xf32, #tpu.memory_space<hbm>> -> memref<1x32x512xf32, #tpu.memory_space<hbm>>
    %dma_start3A_141 = tpu.memref_squeeze %dma_start3A_140 : memref<1x32x512xf32, #tpu.memory_space<hbm>> -> memref<32x512xf32, #tpu.memory_space<hbm>>
    %dma_start3A_142 = arith.constant 0 : i32
    %dma_start3A_143 = tpu.memref_slice %arg7[%add3A_138, %mul3A_2, %dma_start3A_142] : memref<77x1024x512xf32, #tpu.memory_space<hbm>> -> memref<1x32x512xf32, #tpu.memory_space<hbm>>
    %dma_start3A_144 = tpu.memref_squeeze %dma_start3A_143 : memref<1x32x512xf32, #tpu.memory_space<hbm>> -> memref<32x512xf32, #tpu.memory_space<hbm>>
    tpu.enqueue_dma source(%arg14 : memref<32x512xf32, #tpu.memory_space<vmem>>) target(%dma_start3A_144 : memref<32x512xf32, #tpu.memory_space<hbm>>) target_semaphore(%arg25 : memref<!tpu.dma_semaphore, #tpu.memory_space<semaphore_mem>>)
    %dma_wait3A_145 = arith.constant 0 : i32
    %dma_wait3A_146 = tpu.memref_slice %arg7[%add3A_138, %mul3A_2, %dma_wait3A_145] : memref<77x1024x512xf32, #tpu.memory_space<hbm>> -> memref<1x32x512xf32, #tpu.memory_space<hbm>>
    %dma_wait3A_147 = tpu.memref_squeeze %dma_wait3A_146 : memref<1x32x512xf32, #tpu.memory_space<hbm>> -> memref<32x512xf32, #tpu.memory_space<hbm>>
    %dma_wait3A_148 = arith.constant 0 : i32
    %dma_wait3A_149 = tpu.memref_slice %arg7[%add3A_138, %mul3A_2, %dma_wait3A_148] : memref<77x1024x512xf32, #tpu.memory_space<hbm>> -> memref<1x32x512xf32, #tpu.memory_space<hbm>>
    %dma_wait3A_150 = tpu.memref_squeeze %dma_wait3A_149 : memref<1x32x512xf32, #tpu.memory_space<hbm>> -> memref<32x512xf32, #tpu.memory_space<hbm>>
    tpu.wait_dma2 semaphore(%arg25 : memref<!tpu.dma_semaphore, #tpu.memory_space<semaphore_mem>>) src(%arg14 : memref<32x512xf32, #tpu.memory_space<vmem>>) dst(%dma_wait3A_150 : memref<32x512xf32, #tpu.memory_space<hbm>>)
    %dma_wait3A_151 = arith.constant 31 : i32
    %dma_wait3A_152 = tpu.memref_slice %arg9[%dma_wait3A_151, %mul3A_36] : memref<32x128xi32, #tpu.memory_space<vmem>> -> memref<1x32xi32, #tpu.memory_space<vmem>>
    %dma_wait3A_153 = tpu.memref_squeeze %dma_wait3A_152 : memref<1x32xi32, #tpu.memory_space<vmem>> -> memref<32xi32, #tpu.memory_space<vmem>>
    %dma_wait3A_154 = arith.constant 0 : i32
    %dma_wait3A_155 = arith.constant 0 : i32
    %dma_wait3A_156 = tpu.memref_slice %arg4[%dma_wait3A_154, %dma_wait3A_155] : memref<49408x512xf32, #tpu.memory_space<hbm>> -> memref<49408x512xf32, #tpu.memory_space<hbm>>
    tpu.wait_indirect_dma semaphore(%arg22 : memref<!tpu.dma_semaphore, #tpu.memory_space<semaphore_mem>>) src(%dma_wait3A_156 : memref<49408x512xf32, #tpu.memory_space<hbm>>) dst(%arg15 : memref<32x512xf32, #tpu.memory_space<vmem>>)
    %jit3A_157 = arith.constant true
    %jit3A_158 = arith.constant 4 : i32
    %jit3A_159 = arith.constant 0 : i32
    %select_n3A_160 = arith.select %jit3A_157, %jit3A_158, %jit3A_159 : i32
    %add3A_161 = arith.constant 31 : i32
    %add3A_162 = arith.addi %add3A_161, %select_n3A_160 : i32
    %dma_start3A_163 = arith.constant 0 : i32
    %dma_start3A_164 = tpu.memref_slice %arg7[%add3A_162, %mul3A_2, %dma_start3A_163] : memref<77x1024x512xf32, #tpu.memory_space<hbm>> -> memref<1x32x512xf32, #tpu.memory_space<hbm>>
    %dma_start3A_165 = tpu.memref_squeeze %dma_start3A_164 : memref<1x32x512xf32, #tpu.memory_space<hbm>> -> memref<32x512xf32, #tpu.memory_space<hbm>>
    %dma_start3A_166 = arith.constant 0 : i32
    %dma_start3A_167 = tpu.memref_slice %arg7[%add3A_162, %mul3A_2, %dma_start3A_166] : memref<77x1024x512xf32, #tpu.memory_space<hbm>> -> memref<1x32x512xf32, #tpu.memory_space<hbm>>
    %dma_start3A_168 = tpu.memref_squeeze %dma_start3A_167 : memref<1x32x512xf32, #tpu.memory_space<hbm>> -> memref<32x512xf32, #tpu.memory_space<hbm>>
    tpu.enqueue_dma source(%arg15 : memref<32x512xf32, #tpu.memory_space<vmem>>) target(%dma_start3A_168 : memref<32x512xf32, #tpu.memory_space<hbm>>) target_semaphore(%arg26 : memref<!tpu.dma_semaphore, #tpu.memory_space<semaphore_mem>>)
    %dma_wait3A_169 = arith.constant 0 : i32
    %dma_wait3A_170 = tpu.memref_slice %arg7[%add3A_162, %mul3A_2, %dma_wait3A_169] : memref<77x1024x512xf32, #tpu.memory_space<hbm>> -> memref<1x32x512xf32, #tpu.memory_space<hbm>>
    %dma_wait3A_171 = tpu.memref_squeeze %dma_wait3A_170 : memref<1x32x512xf32, #tpu.memory_space<hbm>> -> memref<32x512xf32, #tpu.memory_space<hbm>>
    %dma_wait3A_172 = arith.constant 0 : i32
    %dma_wait3A_173 = tpu.memref_slice %arg7[%add3A_162, %mul3A_2, %dma_wait3A_172] : memref<77x1024x512xf32, #tpu.memory_space<hbm>> -> memref<1x32x512xf32, #tpu.memory_space<hbm>>
    %dma_wait3A_174 = tpu.memref_squeeze %dma_wait3A_173 : memref<1x32x512xf32, #tpu.memory_space<hbm>> -> memref<32x512xf32, #tpu.memory_space<hbm>>
    tpu.wait_dma2 semaphore(%arg26 : memref<!tpu.dma_semaphore, #tpu.memory_space<semaphore_mem>>) src(%arg15 : memref<32x512xf32, #tpu.memory_space<vmem>>) dst(%dma_wait3A_174 : memref<32x512xf32, #tpu.memory_space<hbm>>)
    %scan3A_175 = arith.constant 0 : i32
    %scan3A_176 = arith.constant 0 : i32
    %scan3A_177 = arith.constant 41 : i32
    %scan3A_178 = arith.addi %scan3A_176, %scan3A_177 : i32
    %scan3A_179 = arith.constant 1 : i32
    %scan3A_180 = scf.for %scan3A_182 = %scan3A_176 to %scan3A_178 step %scan3A_179 iter_args(%scan3A_183 = %scan3A_175) -> (i32)  : i32 {
      %add3A_184 = arith.constant 36 : i32
      %add3A_185 = arith.addi %add3A_184, %scan3A_182 : i32
      %dma_wait3A_186 = arith.constant 0 : i32
      %dma_wait3A_187 = tpu.memref_slice %arg7[%add3A_185, %mul3A_2, %dma_wait3A_186] : memref<77x1024x512xf32, #tpu.memory_space<hbm>> -> memref<1x32x512xf32, #tpu.memory_space<hbm>>
      %dma_wait3A_188 = tpu.memref_squeeze %dma_wait3A_187 : memref<1x32x512xf32, #tpu.memory_space<hbm>> -> memref<32x512xf32, #tpu.memory_space<hbm>>
      %dma_wait3A_189 = arith.constant 0 : i32
      %dma_wait3A_190 = tpu.memref_slice %arg7[%add3A_185, %mul3A_2, %dma_wait3A_189] : memref<77x1024x512xf32, #tpu.memory_space<hbm>> -> memref<1x32x512xf32, #tpu.memory_space<hbm>>
      %dma_wait3A_191 = tpu.memref_squeeze %dma_wait3A_190 : memref<1x32x512xf32, #tpu.memory_space<hbm>> -> memref<32x512xf32, #tpu.memory_space<hbm>>
      tpu.wait_dma2 semaphore(%arg18 : memref<!tpu.dma_semaphore, #tpu.memory_space<semaphore_mem>>) src(%arg11 : memref<32x512xf32, #tpu.memory_space<vmem>>) dst(%dma_wait3A_191 : memref<32x512xf32, #tpu.memory_space<hbm>>)
      %scan3A_192 = arith.constant 0 : i32
      scf.yield %scan3A_192 : i32
    }
    %scan3A_181 = arith.constant 41 : i32
    return
  }
}

module attributes {stable_mosaic.version = 14 : i64} {
  func.func @_patch_body(%arg0: i32, %arg1: memref<77x1024x512xf32, #tpu.memory_space<hbm>>, %arg2: memref<128x4x512xf32, #tpu.memory_space<vmem>>, %arg3: memref<4x128x512xf32, #tpu.memory_space<vmem>>) attributes {dimension_semantics = [#tpu.dimension_semantics<arbitrary>], iteration_bounds = array<i64: 8>, scalar_prefetch = 0 : i64, scratch_operands = 0 : i64, tpu.core_type = #tpu.core_type<tc>, window_params = [{}, {transform_indices = @transform_1, window_bounds = array<i64: 128, 4, 512>}, {transform_indices = @transform_2, window_bounds = array<i64: 4, 128, 512>}]} {
    %get3A = arith.constant 0 : index
    %get3A_0 = arith.constant 0 : index
    %get3A_1 = arith.constant 0 : index
    %get3A_2 = vector.load %arg2[%get3A, %get3A_0, %get3A_1] : memref<128x4x512xf32, #tpu.memory_space<vmem>>, vector<128x1x512xf32>
    %get3A_3 = vector.shape_cast %get3A_2 : vector<128x1x512xf32> to vector<128x512xf32>
    %swap3A = arith.constant 0 : index
    %swap3A_4 = arith.constant 0 : index
    %swap3A_5 = arith.constant 0 : index
    %swap3A_6 = vector.load %arg3[%swap3A, %swap3A_4, %swap3A_5] : memref<4x128x512xf32, #tpu.memory_space<vmem>>, vector<1x128x512xf32>
    %swap3A_7 = vector.shape_cast %swap3A_6 : vector<1x128x512xf32> to vector<128x512xf32>
    %swap3A_8 = vector.shape_cast %get3A_3 : vector<128x512xf32> to vector<1x128x512xf32>
    tpu.vector_store %arg3[%swap3A, %swap3A_4, %swap3A_5], %swap3A_8 {strides = array<i32>} : memref<4x128x512xf32, #tpu.memory_space<vmem>>, vector<1x128x512xf32>,
    %get3A_9 = arith.constant 0 : index
    %get3A_10 = arith.constant 1 : index
    %get3A_11 = arith.constant 0 : index
    %get3A_12 = vector.load %arg2[%get3A_9, %get3A_10, %get3A_11] : memref<128x4x512xf32, #tpu.memory_space<vmem>>, vector<128x1x512xf32>
    %get3A_13 = vector.shape_cast %get3A_12 : vector<128x1x512xf32> to vector<128x512xf32>
    %swap3A_14 = arith.constant 1 : index
    %swap3A_15 = arith.constant 0 : index
    %swap3A_16 = arith.constant 0 : index
    %swap3A_17 = vector.load %arg3[%swap3A_14, %swap3A_15, %swap3A_16] : memref<4x128x512xf32, #tpu.memory_space<vmem>>, vector<1x128x512xf32>
    %swap3A_18 = vector.shape_cast %swap3A_17 : vector<1x128x512xf32> to vector<128x512xf32>
    %swap3A_19 = vector.shape_cast %get3A_13 : vector<128x512xf32> to vector<1x128x512xf32>
    tpu.vector_store %arg3[%swap3A_14, %swap3A_15, %swap3A_16], %swap3A_19 {strides = array<i32>} : memref<4x128x512xf32, #tpu.memory_space<vmem>>, vector<1x128x512xf32>,
    %get3A_20 = arith.constant 0 : index
    %get3A_21 = arith.constant 2 : index
    %get3A_22 = arith.constant 0 : index
    %get3A_23 = vector.load %arg2[%get3A_20, %get3A_21, %get3A_22] : memref<128x4x512xf32, #tpu.memory_space<vmem>>, vector<128x1x512xf32>
    %get3A_24 = vector.shape_cast %get3A_23 : vector<128x1x512xf32> to vector<128x512xf32>
    %swap3A_25 = arith.constant 2 : index
    %swap3A_26 = arith.constant 0 : index
    %swap3A_27 = arith.constant 0 : index
    %swap3A_28 = vector.load %arg3[%swap3A_25, %swap3A_26, %swap3A_27] : memref<4x128x512xf32, #tpu.memory_space<vmem>>, vector<1x128x512xf32>
    %swap3A_29 = vector.shape_cast %swap3A_28 : vector<1x128x512xf32> to vector<128x512xf32>
    %swap3A_30 = vector.shape_cast %get3A_24 : vector<128x512xf32> to vector<1x128x512xf32>
    tpu.vector_store %arg3[%swap3A_25, %swap3A_26, %swap3A_27], %swap3A_30 {strides = array<i32>} : memref<4x128x512xf32, #tpu.memory_space<vmem>>, vector<1x128x512xf32>,
    %get3A_31 = arith.constant 0 : index
    %get3A_32 = arith.constant 3 : index
    %get3A_33 = arith.constant 0 : index
    %get3A_34 = vector.load %arg2[%get3A_31, %get3A_32, %get3A_33] : memref<128x4x512xf32, #tpu.memory_space<vmem>>, vector<128x1x512xf32>
    %get3A_35 = vector.shape_cast %get3A_34 : vector<128x1x512xf32> to vector<128x512xf32>
    %swap3A_36 = arith.constant 3 : index
    %swap3A_37 = arith.constant 0 : index
    %swap3A_38 = arith.constant 0 : index
    %swap3A_39 = vector.load %arg3[%swap3A_36, %swap3A_37, %swap3A_38] : memref<4x128x512xf32, #tpu.memory_space<vmem>>, vector<1x128x512xf32>
    %swap3A_40 = vector.shape_cast %swap3A_39 : vector<1x128x512xf32> to vector<128x512xf32>
    %swap3A_41 = vector.shape_cast %get3A_35 : vector<128x512xf32> to vector<1x128x512xf32>
    tpu.vector_store %arg3[%swap3A_36, %swap3A_37, %swap3A_38], %swap3A_41 {strides = array<i32>} : memref<4x128x512xf32, #tpu.memory_space<vmem>>, vector<1x128x512xf32>,
    return
  }
  func.func @transform_1(%arg0: i32) -> (i32, i32, i32) {
    %c0_i32 = arith.constant 0 : i32
    %c0_i32_0 = arith.constant 0 : i32
    %c0_i32_1 = arith.constant 0 : i32
    return %arg0, %c0_i32, %c0_i32_0 : i32, i32, i32
  }
  func.func @transform_2(%arg0: i32) -> (i32, i32, i32) {
    %c3_i32 = arith.constant 3 : i32
    %c0_i32 = arith.constant 0 : i32
    %c0_i32_0 = arith.constant 0 : i32
    return %c3_i32, %arg0, %c0_i32 : i32, i32, i32
  }
}

</mosaic_0001>

<sc_bundles>
// kernel: kernel.4.cloned.1.call-start
scs
__scs_entry_jumppad:
0x0: {  	(pc) =	sbr.rel $0x88, $3  }
0x1: {  	(tag) =	ssettag $0x0;
	lr =	simm.s32 $0x1  }
0x2: {  	[smem:$0x3F9D] =	sst lr;
	_ =	strace $0xD0000000  }
0x3: {  	_ = 	snop  }
0x4: {  	_ = 	snop  }
0x5: {  	_ = 	snop  }
0x6: {  	_ = 	snop  }
0x7: {  	_ = 	snop  }
__scs_overlays_trampoline_lowered:
0x8: {  	[smem:$0x3FAC] =	sst s0  }
0x9: {  	[smem:$0x3FAD] =	sst s1  }
0xa: {  	[smem:$0x3FAE] =	sst s2  }
0xb: {  	[smem:$0x3FAF] =	sst s3  }
0xc: {  	[smem:$0x3FB0] =	sst s4  }
0xd: {  	[smem:$0x3FB1] =	sst s5  }
0xe: {  	[smem:$0x3FB2] =	sst s6  }
0xf: {  	[smem:$0x3FB3] =	sst s7  }
0x10: {  	[smem:$0x3FB4] =	sst s8  }
0x11: {  	[smem:$0x3FB5] =	sst s9;
	s0 =	simm.s32 @!p0 $0x0  }
0x12: {  	s1 =	sld [smem:$0x3F9B];
	s0 =	simm.s32 @p0 $0x1  }
0x13: {  	[smem:$0x3FB6] =	sst s0;
	s0 =	simm.s32 @!p1 $0x0  }
0x14: {  	s2 =	sld [smem:$0x3F9A];
	s0 =	simm.s32 @p1 $0x1  }
0x15: {  	[smem:$0x3FB7] =	sst s0;
	s0 =	simm.s32 @!p2 $0x0  }
0x16: {  	s3 =	sld [smem:$0x3FDB];
	s0 =	simm.s32 @p2 $0x1  }
0x17: {  	s4 =	simm.s32 $0x1BF5;
	[smem:$0x3FB9] =	sst s0  }
0x18: {  	s0 =	sld [smem:$0x3F9C];
	_ =	swait.ge [sflag:s4], $0x0  }
0x19: {  	s7 =	sld [smem:$0x3F9D]  }
0x1a: {  	s8 =	sadd.s32 $0xFFFFE003, lr  }
0x1b: {  	s9 =	sadd.s32 $0xFFFFFEF7, lr;
	s5 =	simm.s32 $0xFFFFFFFF;
	p2 =	slt.u32 s8, $0xFFFFF086  }
0x1c: {  	p1 =	slt.u32 s9, $0xF7A;
	s5 =	simm.s32 @!p2 $0x0  }
0x1d: {  	s5 =	simm.s32 @p1 $0x1;
	p0 =	seq.s32 s7, s2  }
0x1e: {  	s7 =	smul.u32 @!p0 $0xF7A, s2;
	p2 =	seq.s32 @!p0 s5, $0x0  }
0x1f: {  	s9 =	smul.u32 $0xF7A, s1;
	s8 =	simm.s32 @!p0 $0x1BF5;
	p2 =	por !p2, p0  }
0x20: {  	[sflag:s8] =	ssyncset.s32 @!p0 $0xFFFFF086;
	s6 =	sadd.s32 @!p0 s3, s7;
	s7 =	simm.s32 @!p0 $0x108  }
0x21: {  	s3 =	sadd.s32 s3, s9;
	s6 =	sadd.s32 @!p0 $0x88, s6;
	s7 =	simm.s32 @p2 $0x1082  }
0x22: {  	[simem:s7], [sflag:s8] =	dma.local @!p0 [hbm:s6], $0xF7A  }
0x23: {  	s9 =	sor.u32 $0xD0000000, s2;
	s6 =	simm.s32 $0x108;
	_ =	swait.ge @!p0 [sflag:s8], $0x0  }
0x24: {  	s3 =	sadd.s32 $0x88, s3;
	s6 =	simm.s32 @!p1 $0x1082;
	[sflag:s4] =	ssyncset.s32 $0xFFFFF086  }
0x25: {  	[simem:s6], [sflag:s4] =	dma.local [hbm:s3], $0xF7A  }
0x26: {  	[smem:$0x3F9D] =	sst s1;
	(tag) =	ssettag s2;
	_ =	strace s9  }
0x27: {  	s1 =	sld [smem:$0x3FAD]  }
0x28: {  	s2 =	sld [smem:$0x3FAE]  }
0x29: {  	s4 =	sld [smem:$0x3FB0]  }
0x2a: {  	p0 =	seq.s32 s5, $0x0;
	s5 =	sld [smem:$0x3FB1]  }
0x2b: {  	s6 =	sld [smem:$0x3FB2]  }
0x2c: {  	s7 =	sld [smem:$0x3FB3]  }
0x2d: {  	s3 =	simm.s32 $0x108;
	s8 =	sld [smem:$0x3FB4]  }
0x2e: {  	s3 =	simm.s32 @!p0 $0x1082;
	s9 =	sld [smem:$0x3FB5]  }
0x2f: {  	lr =	sadd.s32 s0, s3;
	s0 =	sld [smem:$0x3FAC]  }
0x30: {  	s3 =	sld [smem:$0x3FAF]  }
0x31: {  	[smem:$0x3FB8] =	sst s10  }
0x32: {  	s10 =	sld [smem:$0x3FB6];
	_ =	sdelay $0x3  }
0x33: {  	p0 =	seq.s32 s10, $0x1;
	s10 =	sld [smem:$0x3FB8];
	_ =	sdelay $0x3  }
0x34: {  	[smem:$0x3FB8] =	sst s10  }
0x35: {  	s10 =	sld [smem:$0x3FB7];
	_ =	sdelay $0x3  }
0x36: {  	p1 =	seq.s32 s10, $0x1;
	s10 =	sld [smem:$0x3FB8];
	_ =	sdelay $0x3  }
0x37: {  	[smem:$0x3FB8] =	sst s10  }
0x38: {  	s10 =	sld [smem:$0x3FB9]  }
0x39: {  	_ = 	snop;
	(pc) =	sbr.ind lr, $3  }
0x3a: {  	_ = 	snop  }
0x3b: {  	_ = 	snop  }
0x3c: {  	p2 =	seq.s32 s10, $0x1;
	s10 =	sld [smem:$0x3FB8]  }
0x3d: {  	_ =	shalt  }
0x3e: {  	_ =	shalt  }
0x3f: {  	_ =	shalt  }
0x40: {  	_ =	shalt  }
0x41: {  	_ =	shalt  }
0x42: {  	_ =	shalt  }
0x43: {  	_ =	shalt  }
0x44: {  	_ =	shalt  }
0x45: {  	_ =	shalt  }
0x46: {  	_ =	shalt  }
0x47: {  	_ =	shalt  }
0x48: {  	_ =	shalt  }
0x49: {  	_ =	shalt  }
0x4a: {  	_ =	shalt  }
0x4b: {  	_ =	shalt  }
0x4c: {  	_ =	shalt  }
0x4d: {  	_ =	shalt  }
0x4e: {  	_ =	shalt  }
0x4f: {  	_ =	shalt  }
0x50: {  	_ =	shalt  }
0x51: {  	_ =	shalt  }
0x52: {  	_ =	shalt  }
0x53: {  	_ =	shalt  }
0x54: {  	_ =	shalt  }
0x55: {  	_ =	shalt  }
0x56: {  	_ =	shalt  }
0x57: {  	_ =	shalt  }
0x58: {  	_ =	shalt  }
0x59: {  	_ =	shalt  }
0x5a: {  	_ =	shalt  }
0x5b: {  	_ =	shalt  }
0x5c: {  	_ =	shalt  }
0x5d: {  	_ =	shalt  }
0x5e: {  	_ =	shalt  }
0x5f: {  	_ =	shalt  }
0x60: {  	_ =	shalt  }
0x61: {  	_ =	shalt  }
0x62: {  	_ =	shalt  }
0x63: {  	_ =	shalt  }
0x64: {  	_ =	shalt  }
0x65: {  	_ =	shalt  }
0x66: {  	_ =	shalt  }
0x67: {  	_ =	shalt  }
0x68: {  	_ =	shalt  }
0x69: {  	_ =	shalt  }
0x6a: {  	_ =	shalt  }
0x6b: {  	_ =	shalt  }
0x6c: {  	_ =	shalt  }
0x6d: {  	_ =	shalt  }
0x6e: {  	_ =	shalt  }
0x6f: {  	_ =	shalt  }
0x70: {  	_ =	shalt  }
0x71: {  	_ =	shalt  }
0x72: {  	_ =	shalt  }
0x73: {  	_ =	shalt  }
0x74: {  	_ =	shalt  }
0x75: {  	_ =	shalt  }
0x76: {  	_ =	shalt  }
0x77: {  	_ =	shalt  }
0x78: {  	_ =	shalt  }
0x79: {  	_ =	shalt  }
0x7a: {  	_ =	shalt  }
0x7b: {  	_ =	shalt  }
0x7c: {  	_ =	shalt  }
0x7d: {  	_ =	shalt  }
0x7e: {  	_ =	shalt  }
0x7f: {  	_ =	shalt  }
0x80: {  	_ =	shalt  }
0x81: {  	_ =	shalt  }
0x82: {  	_ =	shalt  }
0x83: {  	_ =	shalt  }
0x84: {  	_ =	shalt  }
0x85: {  	_ =	shalt  }
0x86: {  	_ =	shalt  }
0x87: {  	_ =	shalt  }
.Lfunc_end0:
.L_simem_size_0:
called_computation_lowered:
.L_overlay_start_0:
0x88: {  	s2 =	sld [smem:$0x3FD9]  }
0x89: {  	s3 =	sld [smem:$0x3FFE];
	_ =	sdelay $0x1  }
0x8a: {  	s1 =	srdreg.scid  }
0x8b: {  	s0 =	sand.u32 $0x1, s1  }
0x8c: {  	s17 =	sshll.u32 s0, $0xA;
	s2 =	sadd.s32 s3, s2  }
0x8d: {  	s2 =	sadd.s32 s2, s17  }
0x8e: {  	[smem:$0x3FC4] =	sst s2  }
0x8f: {  	_ = 	snop  }
0x90: {  	s2 =	sld [smem:$0x3FC9]  }
0x91: {  	s18 =	sld [smem:$0x3FC7]  }
0x92: {  	s4 =	sld [smem:$0x3FC6]  }
0x93: {  	s5 =	sld [smem:$0x3FD0];
	(tm) =	ssettm $0x1  }
0x94: {  	s6 =	sld [smem:$0x3FFB];
	_ =	sdelay $0x3  }
0x95: {  	_ =	strace s6  }
0x96: {  	s6 =	sld [smem:$0x3FFC];
	_ =	sdelay $0x3  }
0x97: {  	_ =	strace s6  }
0x98: {  	s6 =	sld [smem:$0x3FFD];
	_ =	sdelay $0x3  }
0x99: {  	_ =	strace s6  }
0x9a: {  	_ =	strace $0x8FFFFFFF  }
0x9b: {  	s19 =	sld [smem:$0x3FDB];
	_ =	sdelay $0x1  }
0x9c: {  	s7 =	simm.s32 $_scs_section_size  }
0x9d: {  	s8 =	simm.s32 $_size__tile_overlayer_lowered;
	s9 =	simm.s32 $_tile_overlayer_lowered  }
0x9e: {  	s22 =	simm.s32 $0x1BFF;
	s21 =	sshll.u32 s9, $0x1;
	s6 =	sadd.s32 s7, s19  }
0x9f: {  	s10 =	simm.s32 $0x0;
	s20 =	sshll.u32 s8, $0x1;
	s8 =	sadd.s32 s21, s6  }
0xa0: {  	[timem:s10], [sflag:s22] =	dma.local [hbm:s8], s20  }
0xa1: {  	_ =	swait.ge [sflag:s22], s20  }
0xa2: {  	s7 =	ssub.s32 $0x0, s20;
	[sflag:s22] =	ssyncset.done $0x0  }
0xa3: {  	[sflag:s22] =	ssyncadd.s32 s7;
	_ =	sdelay $0x1  }
0xa4: {  	s23 =	simm.s32 $0x1B8B  }
0xa5: {  	_ =	swait.ge [sflag:s23], $0x1  }
0xa6: {  	[sflag:s23] =	ssyncset.done $0x0  }
0xa7: {  	s25 =	simm.s32 $0x1B8E;
	s24 =	sld [smem:$0x3FFE];
	[sflag:s23] =	ssyncadd.s32 $0xFFFFFFFF  }
0xa8: {  	s26 =	simm.s32 $execute0_lowered;
	[smem:$0x3FD2] =	sst s25  }
0xa9: {  	s8 =	sshll.u32 s26, $0x1;
	_ =	strace $0x80000046;
	[dreg:$0x1] =	wrdreg $0xFFFFFFFF  }
0xaa: {  	s28 =	simm.s32 $_size_execute0_lowered;
	s6 =	sadd.s32 s6, s8;
	[dreg:$0x0] =	wrdreg $0x0  }
0xab: {  	s8 =	sshll.u32 s28, $0x1;
	[dreg:$0x2] =	wrdreg s6  }
0xac: {  	[dreg:$0x3] =	wrdreg s8  }
0xad: {  	[dreg:$0x4] =	wrdreg $0xC0  }
0xae: {  	_ =	task [dreg:s10], $0x5FFFF  }
0xaf: {  	[dreg:$0x1] =	wrdreg $0xFFFFFFFF  }
0xb0: {  	[dreg:$0x0] =	wrdreg $0x60  }
0xb1: {  	[dreg:$0x2] =	wrdreg s24  }
0xb2: {  	[dreg:$0x3] =	wrdreg s2  }
0xb3: {  	[dreg:$0x4] =	wrdreg s18  }
0xb4: {  	[dreg:$0x5] =	wrdreg s4  }
0xb5: {  	[dreg:$0x6] =	wrdreg s5  }
0xb6: {  	[dreg:$0x7] =	wrdreg $0x9  }
0xb7: {  	_ =	task.clear_ibuf [dreg:s10], $0x8FFFF;
	_ =	strace $0x90000046  }
0xb8: {  	s29 =	simm.s32 $0x9;
	_ =	strace $0x80000048  }
0xb9: {  	_ =	swait.ge [sflag:s29], $0x1  }
0xba: {  	[sflag:s29] =	ssyncadd.s32 $0xFFFFFFFF  }
0xbb: {  	_ =	strace $0x90000048  }
0xbc: {  	_ =	sfence  }
0xbd: {  	s30 =	sld [smem:$0x0];
	_ =	sdelay $0x2  }
0xbe: {  	s31 =	sshll.u32 s1, $0xD;
	s1 =	sshrl.u32 s1, $0x2  }
0xbf: {  	s3 =	sand.u32 $0x4000, s31;
	s1 =	sadd.s32 s1, s30  }
0xc0: {  	s0 =	sor.u32 s3, s0;
	s1 =	sshll.u32 s1, $0x11  }
0xc1: {  	s0 =	sor.u32 s1, s0  }
0xc2: {  	s0 =	sadd.s32 $0x8F2B, s0  }
0xc3: {  	[sflag:s0] =	ssyncadd.remote.s32 $0x1  }
0xc4: {  	_ =	sfence.sel $0xFFFF  }
0xc5: {  	[dreg:$0x0] =	wrdreg $0xFFFFFFFF;
	(pc) =	sbr.abs _section_cstart, $3  }
0xc6: {  	[dreg:$0x1] =	wrdreg $0xFFFFFFFF  }
0xc7: {  	_ =	task.clear_ibuf [dreg:s10], $0x2FFFF;
	_ =	strace $0x9FFFFFFF  }
0xc8: {  	(tm) =	ssettm $0x7FFFFFFF  }
0xc9: {  	_ =	shalt  }
tec
execute0_lowered:
.L_overlay_start_1:
0x0: {  	(tag) =	ssettag $0x1  }
0x1: {  	s0 =	rddreg [dreg:$0x0]  }
0x2: {  	s2 =	rddreg [dreg:$0x1]  }
0x3: {  	s1 =	rddreg [dreg:$0x2]  }
0x4: {  	s4 =	rddreg [dreg:$0x4];
	s5 =	simm.s32 $0x0  }
0x5: {  	s12 =	stileid.u32;
	s3 =	srdreg.scid;
	s28 =	simm.s32 $0x5080  }
0x6: {  	s30 =	simm.s32 $0x12080;
	s31 =	simm.s32 $0x12880;
	s13 =	simm.s32 $0x9  }
0x7: {  	[smem:$0x7FF] =	sst s5;
	s6 =	sshll.u32 s12, $0x6;
	s3 =	sand.u32 $0x1, s3  }
0x8: {  	s7 =	sshll.u32 s12, $0x1;
	s11 =	sadd.s32 $0x1A00, s0;
	s23 =	sshll.u32 s12, $0xC  }
0x9: {  	s12 =	simm.s32 $0x8;
	_ =	strace $0x80000047;
	s8 =	sand.u32 $0x380, s6  }
0xa: {  	s7 =	sor.u32 s3, s7;
	s10 =	ssub.s32 $0x2, s3;
	[dreg:$0x7] =	wrdreg s11  }
0xb: {  	s11 =	sadd.s32 $0x100, s1;
	s24 =	sshll.u32 s3, $0xB;
	s3 =	sshll.u32 s3, $0x5  }
0xc: {  	s8 =	sadd.s32 s8, s0;
	s9 =	sshll.u32 s7, $0xD;
	s14 =	sshrl.u32 s10, $0x1  }
0xd: {  	s15 =	sshll.u32 s7, $0x5;
	s16 =	sshll.u32 s7, $0x2;
	s17 =	sshll.u32 s7, $0xB  }
0xe: {  	s7 =	sshll.u32 s7, $0xE;
	s26 =	sor.u32 s3, s6;
	s0 =	sadd.s32 s9, s0  }
0xf: {  	s9 =	ssub.s32 s10, s14;
	s10 =	sand.u32 $0x60, s15;
	[dreg:$0x6] =	wrdreg s7  }
0x10: {  	s3 =	simm.s32 $0x13880;
	s8 =	sadd.s32 $0xA00, s8;
	[dreg:$0x8] =	wrdreg s10  }
0x11: {  	s6 =	simm.s32 $0x4;
	s2 =	sadd.s32 s2, s16;
	[dreg:$0x9] =	wrdreg s8  }
0x12: {  	s29 =	sor.u32 $0x390, s26;
	s14 =	simm.s32 $0xD080;
	[dreg:$0xa] =	wrdreg s2  }
0x13: {  	s7 =	simm.s32 $0x11080;
	s18 =	sadd.s32 $0x2200, s0;
	[dreg:$0x12] =	wrdreg s29  }
0x14: {  	s15 =	simm.s32 $0xA;
	s22 =	smax.u32 s9, $0x1;
	[dreg:$0xb] =	wrdreg s18  }
0x15: {  	s2 =	sadd.s32 s17, s4;
	s0 =	sadd.s32 $0x3200, s0;
	[dreg:$0x10] =	wrdreg s22  }
0x16: {  	s16 =	simm.s32 $0x2;
	s19 =	sadd.s32 $0x200000, s2;
	[dreg:$0x11] =	wrdreg s0  }
0x17: {  	s8 =	simm.s32 $0x5;
	s20 =	sadd.s32 $0x210000, s2;
	[dreg:$0xc] =	wrdreg s19  }
0x18: {  	s9 =	simm.s32 $0x6;
	s21 =	sadd.s32 $0x220000, s2;
	[dreg:$0xd] =	wrdreg s20  }
0x19: {  	s10 =	simm.s32 $0x7;
	s2 =	sadd.s32 $0x230000, s2;
	[dreg:$0xe] =	wrdreg s21  }
0x1a: {  	s0 =	simm.s32 $0x13080;
	[dreg:$0xf] =	wrdreg s2;
	s2 =	sadd.s32 s23, s4  }
0x1b: {  	v0 =	vlaneseq.u32;
	s23 =	simm.s32 $0x9080;
	s20 =	simm.s32 $0x14080;
	s21 =	simm.s32 $0x14880  }
0x1c: {  	vm0 =	vmmov $0xffff;
	v2 =	vshrl.u32 v0, $0x3;
	s19 =	simm.s32 $0x0;
	s25 =	sadd.s32 s24, s2;
	s24 =	simm.s32 $0x1080  }
0x1d: {  	v1 =	vand.u32 $0x7, v0;
	v3 =	vor.u32 $0x8, v0;
	v2 =	vmul.u32 $0x8, v2;
	s2 =	simm.s32 $0x3;
	s18 =	sadd.s32 $0x240000, s25;
	s25 =	simm.s32 $0xB  }
.LBB2_1:
0x1e: {  	[dreg:$0x13] =	wrdreg s19  }
0x1f: {  	s17 =	rddreg [dreg:$0x9];
	s29 =	simm.s32 $0x400;
	s22 =	simm.s32 $0x2000  }
0x20: {  	[tilespmem:s5], [sflag:$0xB] =	stream.strided.gather [hbm4b:s17+s29], $0x1000, s22, s29, $0x38;
	[tilespmem:$0x1D080] =	vst v63  }
0x21: {  	_ =	swait.ge [sflag:s25], $0x1000  }
0x22: {  	[sflag:s25] =	ssyncset.done $0x0  }
0x23: {  	s26 =	simm.s32 $0x1000;
	s22 =	rddreg [dreg:$0xa];
	[sflag:s25] =	ssyncadd.s32 $0xFFFFF000  }
0x24: {  	[tilespmem:s26], [sflag:$0xB] =	stream.linear.gather [hbm4b:s22+s5], $0x20, $0x38;
	[tilespmem:$0x1D080] =	vst v63  }
0x25: {  	_ =	swait.ge [sflag:s25], $0x20  }
0x26: {  	[sflag:s25] =	ssyncset.done $0x0  }
0x27: {  	s29 =	rddreg [dreg:$0x7];
	[sflag:s25] =	ssyncadd.s32 $0xFFFFFFE0  }
0x28: {  	[tilespmem:s24], [sflag:$0xB] =	stream.linear.gather [hbm4b:s29+s5], $0x4000, $0x38;
	[tilespmem:$0x1D080] =	vst v63  }
0x29: {  	_ =	swait.ge [sflag:s25], $0x4000  }
0x2a: {  	[sflag:s25] =	ssyncset.done $0x0  }
0x2b: {  	s19 =	sadd.s32 $0x0, s18;
	s17 =	simm.s32 $0x10000;
	[sflag:s25] =	ssyncadd.s32 $0xFFFFC000  }
.LBB2_2:
0x2c: {  	[hbm4b:s19+s5] =	stream.linear.scatter [tilespmem:s24], [sflag:$0x2], $0x4000, $0x38;
	[tilespmem:$0x1D080] =	vst v63  }
0x2d: {  	s19 =	smov.u32 s17;
	p0 =	sne.s32 s17, $0x280000  }
.Ltmp0:
0x2e: {  	s17 =	sadd.s32 $0x10000, s17;
	(pc) =	sbr.rel @p0 .LBB2_2-.Ltmp0, $2  }
0x2f: {  	_ =	sdelay $0x2  }
0x30: {  	s19 =	sadd.s32 s19, s18  }
0x31: {  	[hbm4b:s19+s5] =	stream.linear.scatter [tilespmem:s24], [sflag:$0x2], $0x4000, $0x38;
	[tilespmem:$0x1D080] =	vst v63  }
0x32: {  	v4 =	vld [tilespmem:$0x1000];
	_ =	sdelay $0x4  }
0x33: {  	v4 =	vshll.u32 v4, $0xB  }
0x34: {  	v4 =	vperm.xlane v4, v0;
	_ =	sdelay $0x3  }
0x35: {  	s17 =	simm.s32 $0x0  }
0x36: {  	s19 =	rddreg [dreg:$0x3];
	s26 =	simm.s32 $0x15080;
	s29 =	simm.s32 $0x1  }
0x37: {  	[tilespmem:s26], [sflag:$0x1] =	stream.indirect_vreg.gather [hbm4b:s19+s17], $0x800, v4, vm0, $0x38;
	[tilespmem:$0x1D080] =	vst v63  }
0x38: {  	_ =	swait.ge [sflag:s29], $0x8000  }
0x39: {  	[sflag:s29] =	ssyncset.done $0x0  }
0x3a: {  	s22 =	rddreg [dreg:$0xb];
	[sflag:s29] =	ssyncadd.s32 $0xFFFF8000  }
0x3b: {  	[hbm4b:s22+s17] =	stream.linear.scatter [tilespmem:s26], [sflag:$0xB], $0x8000, $0x38;
	[tilespmem:$0x1D080] =	vst v63  }
0x3c: {  	_ =	swait.ge [sflag:s25], $0x8000  }
0x3d: {  	[sflag:s25] =	ssyncset.done $0x0  }
0x3e: {  	[sflag:s25] =	ssyncadd.s32 $0xFFFF8000  }
0x3f: {  	v4 =	vld [tilespmem:$0x1010];
	_ =	sdelay $0x4  }
0x40: {  	v4 =	vshll.u32 v4, $0xB  }
0x41: {  	v4 =	vperm.xlane v4, v0;
	_ =	sdelay $0x5  }
0x42: {  	[tilespmem:s26], [sflag:$0x1] =	stream.indirect_vreg.gather [hbm4b:s19+s17], $0x800, v4, vm0, $0x38;
	[tilespmem:$0x1D080] =	vst v63  }
0x43: {  	_ =	swait.ge [sflag:s29], $0x8000  }
0x44: {  	[sflag:s29] =	ssyncset.done $0x0  }
0x45: {  	s22 =	rddreg [dreg:$0x11];
	[sflag:s29] =	ssyncadd.s32 $0xFFFF8000  }
0x46: {  	[hbm4b:s22+s17] =	stream.linear.scatter [tilespmem:s26], [sflag:$0xB], $0x8000, $0x38;
	[tilespmem:$0x1D080] =	vst v63  }
0x47: {  	_ =	swait.ge [sflag:s25], $0x8000  }
0x48: {  	[sflag:s25] =	ssyncset.done $0x0  }
0x49: {  	s19 =	rddreg [dreg:$0x8];
	[sflag:s25] =	ssyncadd.s32 $0xFFFF8000  }
0x4a: {  	v4 =	vld [tilespmem:s19+$0x0];
	_ =	sdelay $0x4  }
0x4b: {  	v5 =	vshll.u32 v4, $0x2  }
0x4c: {  	v4 =	vand.u32 $0x7, v4;
	v5 =	vand.u32 $0xFFFFFFE0, v5  }
0x4d: {  	v4 =	vor.u32 v4, v5  }
0x4e: {  	v5 =	vperm.xlane v4, v1;
	_ =	sdelay $0x1  }
0x4f: {  	v5 =	vadd.s32 v2, v5;
	_ =	sdelay $0x1  }
0x50: {  	v4 =	vperm.xlane v4, v3;
	_ =	sdelay $0x1  }
0x51: {  	v4 =	vadd.s32 v2, v4  }
0x52: {  	[tilespmem:s28], [sflag:$0x3] =	stream.indirect_vreg.gather [hbm4b:s1+s17], $0x80, v5, vm0, $0xb8;
	[tilespmem:$0x1D080] =	vst v63  }
0x53: {  	s29 =	simm.s32 $0x5880  }
0x54: {  	[tilespmem:s29], [sflag:$0x3] =	stream.indirect_vreg.gather [hbm4b:s11+s17], $0x80, v5, vm0, $0xb8;
	[tilespmem:$0x1D080] =	vst v63  }
0x55: {  	s26 =	simm.s32 $0x6080  }
0x56: {  	[tilespmem:s26], [sflag:$0x3] =	stream.indirect_vreg.gather [hbm4b:s1+s17], $0x80, v4, vm0, $0xb8;
	[tilespmem:$0x1D080] =	vst v63  }
0x57: {  	s25 =	simm.s32 $0x6880  }
0x58: {  	[tilespmem:s25], [sflag:$0x3] =	stream.indirect_vreg.gather [hbm4b:s11+s17], $0x80, v4, vm0, $0xb8;
	[tilespmem:$0x1D080] =	vst v63  }
0x59: {  	v4 =	vld [tilespmem:s19+$0x10];
	_ =	sdelay $0x4  }
0x5a: {  	v5 =	vshll.u32 v4, $0x2  }
0x5b: {  	v4 =	vand.u32 $0x7, v4;
	v5 =	vand.u32 $0xFFFFFFE0, v5  }
0x5c: {  	v4 =	vor.u32 v4, v5  }
0x5d: {  	v5 =	vperm.xlane v4, v1;
	_ =	sdelay $0x1  }
0x5e: {  	v5 =	vadd.s32 v2, v5;
	_ =	sdelay $0x1  }
0x5f: {  	v4 =	vperm.xlane v4, v3;
	_ =	sdelay $0x1  }
0x60: {  	s26 =	simm.s32 $0x7080;
	v4 =	vadd.s32 v2, v4  }
0x61: {  	[tilespmem:s26], [sflag:$0x3] =	stream.indirect_vreg.gather [hbm4b:s1+s17], $0x80, v5, vm0, $0xb8;
	[tilespmem:$0x1D080] =	vst v63  }
0x62: {  	s25 =	simm.s32 $0x7880  }
0x63: {  	[tilespmem:s25], [sflag:$0x3] =	stream.indirect_vreg.gather [hbm4b:s11+s17], $0x80, v5, vm0, $0xb8;
	[tilespmem:$0x1D080] =	vst v63  }
0x64: {  	s26 =	simm.s32 $0x8080  }
0x65: {  	[tilespmem:s26], [sflag:$0x3] =	stream.indirect_vreg.gather [hbm4b:s1+s17], $0x80, v4, vm0, $0xb8;
	[tilespmem:$0x1D080] =	vst v63  }
0x66: {  	s25 =	simm.s32 $0x8880  }
0x67: {  	[tilespmem:s25], [sflag:$0x3] =	stream.indirect_vreg.gather [hbm4b:s11+s17], $0x80, v4, vm0, $0xb8;
	[tilespmem:$0x1D080] =	vst v63  }
0x68: {  	v4 =	vld [tilespmem:s19+$0x80];
	_ =	sdelay $0x4  }
0x69: {  	v5 =	vshll.u32 v4, $0x2  }
0x6a: {  	v4 =	vand.u32 $0x7, v4;
	v5 =	vand.u32 $0xFFFFFFE0, v5  }
0x6b: {  	v4 =	vor.u32 v4, v5  }
0x6c: {  	v5 =	vperm.xlane v4, v1;
	_ =	sdelay $0x1  }
0x6d: {  	v5 =	vadd.s32 v2, v5;
	_ =	sdelay $0x1  }
0x6e: {  	v4 =	vperm.xlane v4, v3;
	_ =	sdelay $0x1  }
0x6f: {  	v4 =	vadd.s32 v2, v4  }
0x70: {  	[tilespmem:s23], [sflag:$0x4] =	stream.indirect_vreg.gather [hbm4b:s1+s17], $0x80, v5, vm0, $0xb8;
	[tilespmem:$0x1D080] =	vst v63  }
0x71: {  	s26 =	simm.s32 $0x9880  }
0x72: {  	[tilespmem:s26], [sflag:$0x4] =	stream.indirect_vreg.gather [hbm4b:s11+s17], $0x80, v5, vm0, $0xb8;
	[tilespmem:$0x1D080] =	vst v63  }
0x73: {  	s25 =	simm.s32 $0xA080  }
0x74: {  	[tilespmem:s25], [sflag:$0x4] =	stream.indirect_vreg.gather [hbm4b:s1+s17], $0x80, v4, vm0, $0xb8;
	[tilespmem:$0x1D080] =	vst v63  }
0x75: {  	s26 =	simm.s32 $0xA880  }
0x76: {  	[tilespmem:s26], [sflag:$0x4] =	stream.indirect_vreg.gather [hbm4b:s11+s17], $0x80, v4, vm0, $0xb8;
	[tilespmem:$0x1D080] =	vst v63  }
0x77: {  	v4 =	vld [tilespmem:s19+$0x90];
	_ =	sdelay $0x4  }
0x78: {  	v5 =	vshll.u32 v4, $0x2  }
0x79: {  	v4 =	vand.u32 $0x7, v4;
	v5 =	vand.u32 $0xFFFFFFE0, v5  }
0x7a: {  	v4 =	vor.u32 v4, v5  }
0x7b: {  	v5 =	vperm.xlane v4, v1;
	_ =	sdelay $0x1  }
0x7c: {  	v5 =	vadd.s32 v2, v5;
	_ =	sdelay $0x1  }
0x7d: {  	v4 =	vperm.xlane v4, v3;
	_ =	sdelay $0x1  }
0x7e: {  	s25 =	simm.s32 $0xB080;
	v4 =	vadd.s32 v2, v4  }
0x7f: {  	[tilespmem:s25], [sflag:$0x4] =	stream.indirect_vreg.gather [hbm4b:s1+s17], $0x80, v5, vm0, $0xb8;
	[tilespmem:$0x1D080] =	vst v63  }
0x80: {  	s26 =	simm.s32 $0xB880  }
0x81: {  	[tilespmem:s26], [sflag:$0x4] =	stream.indirect_vreg.gather [hbm4b:s11+s17], $0x80, v5, vm0, $0xb8;
	[tilespmem:$0x1D080] =	vst v63  }
0x82: {  	s25 =	simm.s32 $0xC080  }
0x83: {  	[tilespmem:s25], [sflag:$0x4] =	stream.indirect_vreg.gather [hbm4b:s1+s17], $0x80, v4, vm0, $0xb8;
	[tilespmem:$0x1D080] =	vst v63  }
0x84: {  	s26 =	simm.s32 $0xC880  }
0x85: {  	[tilespmem:s26], [sflag:$0x4] =	stream.indirect_vreg.gather [hbm4b:s11+s17], $0x80, v4, vm0, $0xb8;
	[tilespmem:$0x1D080] =	vst v63  }
0x86: {  	v4 =	vld [tilespmem:s19+$0x100];
	_ =	sdelay $0x4  }
0x87: {  	v5 =	vshll.u32 v4, $0x2  }
0x88: {  	v4 =	vand.u32 $0x7, v4;
	v5 =	vand.u32 $0xFFFFFFE0, v5  }
0x89: {  	v4 =	vor.u32 v4, v5  }
0x8a: {  	v5 =	vperm.xlane v4, v1;
	_ =	sdelay $0x1  }
0x8b: {  	v5 =	vadd.s32 v2, v5;
	_ =	sdelay $0x1  }
0x8c: {  	v4 =	vperm.xlane v4, v3;
	_ =	sdelay $0x1  }
0x8d: {  	v4 =	vadd.s32 v2, v4  }
0x8e: {  	[tilespmem:s14], [sflag:$0x5] =	stream.indirect_vreg.gather [hbm4b:s1+s17], $0x80, v5, vm0, $0xb8;
	[tilespmem:$0x1D080] =	vst v63  }
0x8f: {  	s25 =	simm.s32 $0xD880  }
0x90: {  	[tilespmem:s25], [sflag:$0x5] =	stream.indirect_vreg.gather [hbm4b:s11+s17], $0x80, v5, vm0, $0xb8;
	[tilespmem:$0x1D080] =	vst v63  }
0x91: {  	s26 =	simm.s32 $0xE080  }
0x92: {  	[tilespmem:s26], [sflag:$0x5] =	stream.indirect_vreg.gather [hbm4b:s1+s17], $0x80, v4, vm0, $0xb8;
	[tilespmem:$0x1D080] =	vst v63  }
0x93: {  	s25 =	simm.s32 $0xE880  }
0x94: {  	[tilespmem:s25], [sflag:$0x5] =	stream.indirect_vreg.gather [hbm4b:s11+s17], $0x80, v4, vm0, $0xb8;
	[tilespmem:$0x1D080] =	vst v63  }
0x95: {  	v4 =	vld [tilespmem:s19+$0x110];
	_ =	sdelay $0x4  }
0x96: {  	v5 =	vshll.u32 v4, $0x2  }
0x97: {  	v4 =	vand.u32 $0x7, v4;
	v5 =	vand.u32 $0xFFFFFFE0, v5  }
0x98: {  	v4 =	vor.u32 v4, v5  }
0x99: {  	v5 =	vperm.xlane v4, v1;
	_ =	sdelay $0x1  }
0x9a: {  	v5 =	vadd.s32 v2, v5;
	_ =	sdelay $0x1  }
0x9b: {  	v4 =	vperm.xlane v4, v3;
	_ =	sdelay $0x1  }
0x9c: {  	s26 =	simm.s32 $0xF080;
	v4 =	vadd.s32 v2, v4  }
0x9d: {  	[tilespmem:s26], [sflag:$0x5] =	stream.indirect_vreg.gather [hbm4b:s1+s17], $0x80, v5, vm0, $0xb8;
	[tilespmem:$0x1D080] =	vst v63  }
0x9e: {  	s25 =	simm.s32 $0xF880  }
0x9f: {  	[tilespmem:s25], [sflag:$0x5] =	stream.indirect_vreg.gather [hbm4b:s11+s17], $0x80, v5, vm0, $0xb8;
	[tilespmem:$0x1D080] =	vst v63  }
0xa0: {  	s26 =	simm.s32 $0x10080  }
0xa1: {  	[tilespmem:s26], [sflag:$0x5] =	stream.indirect_vreg.gather [hbm4b:s1+s17], $0x80, v4, vm0, $0xb8;
	[tilespmem:$0x1D080] =	vst v63  }
0xa2: {  	s25 =	simm.s32 $0x10880  }
0xa3: {  	[tilespmem:s25], [sflag:$0x5] =	stream.indirect_vreg.gather [hbm4b:s11+s17], $0x80, v4, vm0, $0xb8;
	[tilespmem:$0x1D080] =	vst v63  }
0xa4: {  	v4 =	vld [tilespmem:s19+$0x180];
	_ =	sdelay $0x4  }
0xa5: {  	v5 =	vshll.u32 v4, $0x2  }
0xa6: {  	v4 =	vand.u32 $0x7, v4;
	v5 =	vand.u32 $0xFFFFFFE0, v5  }
0xa7: {  	v4 =	vor.u32 v4, v5  }
0xa8: {  	v5 =	vperm.xlane v4, v1;
	_ =	sdelay $0x1  }
0xa9: {  	v5 =	vadd.s32 v2, v5;
	_ =	sdelay $0x1  }
0xaa: {  	v4 =	vperm.xlane v4, v3;
	_ =	sdelay $0x1  }
0xab: {  	v4 =	vadd.s32 v2, v4  }
0xac: {  	[tilespmem:s7], [sflag:$0x6] =	stream.indirect_vreg.gather [hbm4b:s1+s17], $0x80, v5, vm0, $0xb8;
	[tilespmem:$0x1D080] =	vst v63  }
0xad: {  	s26 =	simm.s32 $0x11880  }
0xae: {  	[tilespmem:s26], [sflag:$0x6] =	stream.indirect_vreg.gather [hbm4b:s11+s17], $0x80, v5, vm0, $0xb8;
	[tilespmem:$0x1D080] =	vst v63  }
0xaf: {  	_ = 	snop  }
0xb0: {  	[tilespmem:s30], [sflag:$0x6] =	stream.indirect_vreg.gather [hbm4b:s1+s17], $0x80, v4, vm0, $0xb8;
	[tilespmem:$0x1D080] =	vst v63  }
0xb1: {  	_ = 	snop  }
0xb2: {  	[tilespmem:s31], [sflag:$0x6] =	stream.indirect_vreg.gather [hbm4b:s11+s17], $0x80, v4, vm0, $0xb8;
	[tilespmem:$0x1D080] =	vst v63  }
0xb3: {  	v4 =	vld [tilespmem:s19+$0x190];
	_ =	sdelay $0x4  }
0xb4: {  	v5 =	vshll.u32 v4, $0x2  }
0xb5: {  	v4 =	vand.u32 $0x7, v4;
	v5 =	vand.u32 $0xFFFFFFE0, v5  }
0xb6: {  	v4 =	vor.u32 v4, v5  }
0xb7: {  	v5 =	vperm.xlane v4, v1;
	_ =	sdelay $0x1  }
0xb8: {  	v5 =	vadd.s32 v2, v5;
	_ =	sdelay $0x1  }
0xb9: {  	v4 =	vperm.xlane v4, v3;
	_ =	sdelay $0x1  }
0xba: {  	v4 =	vadd.s32 v2, v4  }
0xbb: {  	[tilespmem:s0], [sflag:$0x6] =	stream.indirect_vreg.gather [hbm4b:s1+s17], $0x80, v5, vm0, $0xb8;
	[tilespmem:$0x1D080] =	vst v63  }
0xbc: {  	_ = 	snop  }
0xbd: {  	[tilespmem:s3], [sflag:$0x6] =	stream.indirect_vreg.gather [hbm4b:s11+s17], $0x80, v5, vm0, $0xb8;
	[tilespmem:$0x1D080] =	vst v63  }
0xbe: {  	_ = 	snop  }
0xbf: {  	[tilespmem:s20], [sflag:$0x6] =	stream.indirect_vreg.gather [hbm4b:s1+s17], $0x80, v4, vm0, $0xb8;
	[tilespmem:$0x1D080] =	vst v63  }
0xc0: {  	s25 =	simm.s32 $0x0;
	s19 =	rddreg [dreg:$0x12]  }
0xc1: {  	[tilespmem:s21], [sflag:$0x6] =	stream.indirect_vreg.gather [hbm4b:s11+s17], $0x80, v4, vm0, $0xb8;
	[tilespmem:$0x1D080] =	vst v63  }
.LBB2_4:
0xc2: {  	p0 =	sgt.u32 s25, $0x2;
	s26 =	simm.s32 $0x4  }
0xc3: {  	s26 =	simm.s32 @!p0 $0x0  }
0xc4: {  	_ =	swait.ge [sflag:s2], $0x4000;
	s26 =	sadd.s32 s17, s26  }
0xc5: {  	s22 =	rddreg [dreg:$0x6];
	s26 =	sshll.u32 s26, $0x13  }
0xc6: {  	s22 =	sor.u32 s22, s26  }
0xc7: {  	[sflag:s2] =	ssyncset.done $0x0;
	s26 =	sshrl.u32 s22, $0x3  }
0xc8: {  	[sflag:s2] =	ssyncadd.s32 $0xFFFFC000;
	s26 =	sadd.s32 s4, s26  }
0xc9: {  	[hbm4b:s26+s5] =	stream.linear.scatter [tilespmem:s28], [sflag:$0x7], $0x4000, $0x38;
	[tilespmem:$0x1D080] =	vst v63  }
0xca: {  	s26 =	sadd.s32 $0x80000, s22;
	_ =	swait.ge [sflag:s6], $0x4000  }
0xcb: {  	s26 =	sshrl.u32 s26, $0x3;
	[sflag:s6] =	ssyncset.done $0x0  }
0xcc: {  	s26 =	sadd.s32 s4, s26;
	[sflag:s6] =	ssyncadd.s32 $0xFFFFC000  }
0xcd: {  	[hbm4b:s26+s5] =	stream.linear.scatter [tilespmem:s23], [sflag:$0x8], $0x4000, $0x38;
	[tilespmem:$0x1D080] =	vst v63  }
0xce: {  	s26 =	sadd.s32 $0x100000, s22;
	_ =	swait.ge [sflag:s8], $0x4000  }
0xcf: {  	s26 =	sshrl.u32 s26, $0x3;
	[sflag:s8] =	ssyncset.done $0x0  }
0xd0: {  	s26 =	sadd.s32 s4, s26;
	[sflag:s8] =	ssyncadd.s32 $0xFFFFC000  }
0xd1: {  	[hbm4b:s26+s5] =	stream.linear.scatter [tilespmem:s14], [sflag:$0x9], $0x4000, $0x38;
	[tilespmem:$0x1D080] =	vst v63  }
0xd2: {  	s22 =	sadd.s32 $0x180000, s22;
	_ =	swait.ge [sflag:s9], $0x4000  }
0xd3: {  	s22 =	sshrl.u32 s22, $0x3;
	[sflag:s9] =	ssyncset.done $0x0  }
0xd4: {  	s22 =	sadd.s32 s4, s22;
	[sflag:s9] =	ssyncadd.s32 $0xFFFFC000  }
0xd5: {  	[hbm4b:s22+s5] =	stream.linear.scatter [tilespmem:s7], [sflag:$0xA], $0x4000, $0x38;
	[tilespmem:$0x1D080] =	vst v63  }
0xd6: {  	_ =	swait.ge [sflag:s10], $0x4000  }
0xd7: {  	[sflag:s10] =	ssyncset.done $0x0  }
0xd8: {  	[sflag:s10] =	ssyncadd.s32 $0xFFFFC000  }
0xd9: {  	v4 =	vld [tilespmem:s19+$0xFFFFFE70];
	_ =	sdelay $0x4  }
0xda: {  	v5 =	vshll.u32 v4, $0x2  }
0xdb: {  	v4 =	vand.u32 $0x7, v4;
	v5 =	vand.u32 $0xFFFFFFE0, v5  }
0xdc: {  	v4 =	vor.u32 v4, v5  }
0xdd: {  	v5 =	vperm.xlane v4, v1;
	_ =	sdelay $0x1  }
0xde: {  	v5 =	vadd.s32 v2, v5;
	_ =	sdelay $0x1  }
0xdf: {  	v4 =	vperm.xlane v4, v3;
	_ =	sdelay $0x1  }
0xe0: {  	v4 =	vadd.s32 v2, v4  }
0xe1: {  	[tilespmem:s28], [sflag:$0x3] =	stream.indirect_vreg.gather [hbm4b:s1+s5], $0x80, v5, vm0, $0xb8;
	[tilespmem:$0x1D080] =	vst v63  }
0xe2: {  	_ = 	snop  }
0xe3: {  	[tilespmem:s29], [sflag:$0x3] =	stream.indirect_vreg.gather [hbm4b:s11+s5], $0x80, v5, vm0, $0xb8;
	[tilespmem:$0x1D080] =	vst v63  }
0xe4: {  	s26 =	simm.s32 $0x6080  }
0xe5: {  	[tilespmem:s26], [sflag:$0x3] =	stream.indirect_vreg.gather [hbm4b:s1+s5], $0x80, v4, vm0, $0xb8;
	[tilespmem:$0x1D080] =	vst v63  }
0xe6: {  	s26 =	simm.s32 $0x6880  }
0xe7: {  	[tilespmem:s26], [sflag:$0x3] =	stream.indirect_vreg.gather [hbm4b:s11+s5], $0x80, v4, vm0, $0xb8;
	[tilespmem:$0x1D080] =	vst v63  }
0xe8: {  	v4 =	vld [tilespmem:s19+$0xFFFFFE80];
	_ =	sdelay $0x4  }
0xe9: {  	v5 =	vshll.u32 v4, $0x2  }
0xea: {  	v4 =	vand.u32 $0x7, v4;
	v5 =	vand.u32 $0xFFFFFFE0, v5  }
0xeb: {  	v4 =	vor.u32 v4, v5  }
0xec: {  	v5 =	vperm.xlane v4, v1;
	_ =	sdelay $0x1  }
0xed: {  	v5 =	vadd.s32 v2, v5;
	_ =	sdelay $0x1  }
0xee: {  	v4 =	vperm.xlane v4, v3;
	_ =	sdelay $0x1  }
0xef: {  	s26 =	simm.s32 $0x7080;
	v4 =	vadd.s32 v2, v4  }
0xf0: {  	[tilespmem:s26], [sflag:$0x3] =	stream.indirect_vreg.gather [hbm4b:s1+s5], $0x80, v5, vm0, $0xb8;
	[tilespmem:$0x1D080] =	vst v63  }
0xf1: {  	s26 =	simm.s32 $0x7880  }
0xf2: {  	[tilespmem:s26], [sflag:$0x3] =	stream.indirect_vreg.gather [hbm4b:s11+s5], $0x80, v5, vm0, $0xb8;
	[tilespmem:$0x1D080] =	vst v63  }
0xf3: {  	s26 =	simm.s32 $0x8080  }
0xf4: {  	[tilespmem:s26], [sflag:$0x3] =	stream.indirect_vreg.gather [hbm4b:s1+s5], $0x80, v4, vm0, $0xb8;
	[tilespmem:$0x1D080] =	vst v63  }
0xf5: {  	s26 =	simm.s32 $0x8880  }
0xf6: {  	[tilespmem:s26], [sflag:$0x3] =	stream.indirect_vreg.gather [hbm4b:s11+s5], $0x80, v4, vm0, $0xb8;
	[tilespmem:$0x1D080] =	vst v63  }
0xf7: {  	_ =	swait.ge [sflag:s12], $0x4000  }
0xf8: {  	[sflag:s12] =	ssyncset.done $0x0  }
0xf9: {  	[sflag:s12] =	ssyncadd.s32 $0xFFFFC000  }
0xfa: {  	v4 =	vld [tilespmem:s19+$0xFFFFFEF0];
	_ =	sdelay $0x4  }
0xfb: {  	v5 =	vshll.u32 v4, $0x2  }
0xfc: {  	v4 =	vand.u32 $0x7, v4;
	v5 =	vand.u32 $0xFFFFFFE0, v5  }
0xfd: {  	v4 =	vor.u32 v4, v5  }
0xfe: {  	v5 =	vperm.xlane v4, v1;
	_ =	sdelay $0x1  }
0xff: {  	v5 =	vadd.s32 v2, v5;
	_ =	sdelay $0x1  }
0x100: {  	v4 =	vperm.xlane v4, v3;
	_ =	sdelay $0x1  }
0x101: {  	v4 =	vadd.s32 v2, v4  }
0x102: {  	[tilespmem:s23], [sflag:$0x4] =	stream.indirect_vreg.gather [hbm4b:s1+s5], $0x80, v5, vm0, $0xb8;
	[tilespmem:$0x1D080] =	vst v63  }
0x103: {  	s26 =	simm.s32 $0x9880  }
0x104: {  	[tilespmem:s26], [sflag:$0x4] =	stream.indirect_vreg.gather [hbm4b:s11+s5], $0x80, v5, vm0, $0xb8;
	[tilespmem:$0x1D080] =	vst v63  }
0x105: {  	s26 =	simm.s32 $0xA080  }
0x106: {  	[tilespmem:s26], [sflag:$0x4] =	stream.indirect_vreg.gather [hbm4b:s1+s5], $0x80, v4, vm0, $0xb8;
	[tilespmem:$0x1D080] =	vst v63  }
0x107: {  	s26 =	simm.s32 $0xA880  }
0x108: {  	[tilespmem:s26], [sflag:$0x4] =	stream.indirect_vreg.gather [hbm4b:s11+s5], $0x80, v4, vm0, $0xb8;
	[tilespmem:$0x1D080] =	vst v63  }
0x109: {  	v4 =	vld [tilespmem:s19+$0xFFFFFF00];
	_ =	sdelay $0x4  }
0x10a: {  	v5 =	vshll.u32 v4, $0x2  }
0x10b: {  	v4 =	vand.u32 $0x7, v4;
	v5 =	vand.u32 $0xFFFFFFE0, v5  }
0x10c: {  	v4 =	vor.u32 v4, v5  }
0x10d: {  	v5 =	vperm.xlane v4, v1;
	_ =	sdelay $0x1  }
0x10e: {  	v5 =	vadd.s32 v2, v5;
	_ =	sdelay $0x1  }
0x10f: {  	v4 =	vperm.xlane v4, v3;
	_ =	sdelay $0x1  }
0x110: {  	s26 =	simm.s32 $0xB080;
	v4 =	vadd.s32 v2, v4  }
0x111: {  	[tilespmem:s26], [sflag:$0x4] =	stream.indirect_vreg.gather [hbm4b:s1+s5], $0x80, v5, vm0, $0xb8;
	[tilespmem:$0x1D080] =	vst v63  }
0x112: {  	s26 =	simm.s32 $0xB880  }
0x113: {  	[tilespmem:s26], [sflag:$0x4] =	stream.indirect_vreg.gather [hbm4b:s11+s5], $0x80, v5, vm0, $0xb8;
	[tilespmem:$0x1D080] =	vst v63  }
0x114: {  	s26 =	simm.s32 $0xC080  }
0x115: {  	[tilespmem:s26], [sflag:$0x4] =	stream.indirect_vreg.gather [hbm4b:s1+s5], $0x80, v4, vm0, $0xb8;
	[tilespmem:$0x1D080] =	vst v63  }
0x116: {  	s26 =	simm.s32 $0xC880  }
0x117: {  	[tilespmem:s26], [sflag:$0x4] =	stream.indirect_vreg.gather [hbm4b:s11+s5], $0x80, v4, vm0, $0xb8;
	[tilespmem:$0x1D080] =	vst v63  }
0x118: {  	_ =	swait.ge [sflag:s13], $0x4000  }
0x119: {  	[sflag:s13] =	ssyncset.done $0x0  }
0x11a: {  	[sflag:s13] =	ssyncadd.s32 $0xFFFFC000  }
0x11b: {  	v4 =	vld [tilespmem:s19+$0xFFFFFF70];
	_ =	sdelay $0x4  }
0x11c: {  	v5 =	vshll.u32 v4, $0x2  }
0x11d: {  	v4 =	vand.u32 $0x7, v4;
	v5 =	vand.u32 $0xFFFFFFE0, v5  }
0x11e: {  	v4 =	vor.u32 v4, v5  }
0x11f: {  	v5 =	vperm.xlane v4, v1;
	_ =	sdelay $0x1  }
0x120: {  	v5 =	vadd.s32 v2, v5;
	_ =	sdelay $0x1  }
0x121: {  	v4 =	vperm.xlane v4, v3;
	_ =	sdelay $0x1  }
0x122: {  	v4 =	vadd.s32 v2, v4  }
0x123: {  	[tilespmem:s14], [sflag:$0x5] =	stream.indirect_vreg.gather [hbm4b:s1+s5], $0x80, v5, vm0, $0xb8;
	[tilespmem:$0x1D080] =	vst v63  }
0x124: {  	s26 =	simm.s32 $0xD880  }
0x125: {  	[tilespmem:s26], [sflag:$0x5] =	stream.indirect_vreg.gather [hbm4b:s11+s5], $0x80, v5, vm0, $0xb8;
	[tilespmem:$0x1D080] =	vst v63  }
0x126: {  	s26 =	simm.s32 $0xE080  }
0x127: {  	[tilespmem:s26], [sflag:$0x5] =	stream.indirect_vreg.gather [hbm4b:s1+s5], $0x80, v4, vm0, $0xb8;
	[tilespmem:$0x1D080] =	vst v63  }
0x128: {  	s26 =	simm.s32 $0xE880  }
0x129: {  	[tilespmem:s26], [sflag:$0x5] =	stream.indirect_vreg.gather [hbm4b:s11+s5], $0x80, v4, vm0, $0xb8;
	[tilespmem:$0x1D080] =	vst v63  }
0x12a: {  	v4 =	vld [tilespmem:s19+$0xFFFFFF80];
	_ =	sdelay $0x4  }
0x12b: {  	v5 =	vshll.u32 v4, $0x2  }
0x12c: {  	v4 =	vand.u32 $0x7, v4;
	v5 =	vand.u32 $0xFFFFFFE0, v5  }
0x12d: {  	v4 =	vor.u32 v4, v5  }
0x12e: {  	v5 =	vperm.xlane v4, v1;
	_ =	sdelay $0x1  }
0x12f: {  	v5 =	vadd.s32 v2, v5;
	_ =	sdelay $0x1  }
0x130: {  	v4 =	vperm.xlane v4, v3;
	_ =	sdelay $0x1  }
0x131: {  	s26 =	simm.s32 $0xF080;
	v4 =	vadd.s32 v2, v4  }
0x132: {  	[tilespmem:s26], [sflag:$0x5] =	stream.indirect_vreg.gather [hbm4b:s1+s5], $0x80, v5, vm0, $0xb8;
	[tilespmem:$0x1D080] =	vst v63  }
0x133: {  	s26 =	simm.s32 $0xF880  }
0x134: {  	[tilespmem:s26], [sflag:$0x5] =	stream.indirect_vreg.gather [hbm4b:s11+s5], $0x80, v5, vm0, $0xb8;
	[tilespmem:$0x1D080] =	vst v63  }
0x135: {  	s26 =	simm.s32 $0x10080  }
0x136: {  	[tilespmem:s26], [sflag:$0x5] =	stream.indirect_vreg.gather [hbm4b:s1+s5], $0x80, v4, vm0, $0xb8;
	[tilespmem:$0x1D080] =	vst v63  }
0x137: {  	s26 =	simm.s32 $0x10880  }
0x138: {  	[tilespmem:s26], [sflag:$0x5] =	stream.indirect_vreg.gather [hbm4b:s11+s5], $0x80, v4, vm0, $0xb8;
	[tilespmem:$0x1D080] =	vst v63  }
0x139: {  	_ =	swait.ge [sflag:s15], $0x4000  }
0x13a: {  	[sflag:s15] =	ssyncset.done $0x0  }
0x13b: {  	[sflag:s15] =	ssyncadd.s32 $0xFFFFC000  }
0x13c: {  	v4 =	vld [tilespmem:s19+$0xFFFFFFF0];
	_ =	sdelay $0x4  }
0x13d: {  	v5 =	vshll.u32 v4, $0x2  }
0x13e: {  	v4 =	vand.u32 $0x7, v4;
	v5 =	vand.u32 $0xFFFFFFE0, v5  }
0x13f: {  	v4 =	vor.u32 v4, v5  }
0x140: {  	v5 =	vperm.xlane v4, v1;
	_ =	sdelay $0x1  }
0x141: {  	v5 =	vadd.s32 v2, v5;
	_ =	sdelay $0x1  }
0x142: {  	v4 =	vperm.xlane v4, v3;
	_ =	sdelay $0x1  }
0x143: {  	v4 =	vadd.s32 v2, v4  }
0x144: {  	[tilespmem:s7], [sflag:$0x6] =	stream.indirect_vreg.gather [hbm4b:s1+s5], $0x80, v5, vm0, $0xb8;
	[tilespmem:$0x1D080] =	vst v63  }
0x145: {  	s26 =	simm.s32 $0x11880  }
0x146: {  	[tilespmem:s26], [sflag:$0x6] =	stream.indirect_vreg.gather [hbm4b:s11+s5], $0x80, v5, vm0, $0xb8;
	[tilespmem:$0x1D080] =	vst v63  }
0x147: {  	_ = 	snop  }
0x148: {  	[tilespmem:s30], [sflag:$0x6] =	stream.indirect_vreg.gather [hbm4b:s1+s5], $0x80, v4, vm0, $0xb8;
	[tilespmem:$0x1D080] =	vst v63  }
0x149: {  	_ = 	snop  }
0x14a: {  	[tilespmem:s31], [sflag:$0x6] =	stream.indirect_vreg.gather [hbm4b:s11+s5], $0x80, v4, vm0, $0xb8;
	[tilespmem:$0x1D080] =	vst v63  }
0x14b: {  	v4 =	vld [tilespmem:s19+$0x0];
	_ =	sdelay $0x4  }
0x14c: {  	v5 =	vshll.u32 v4, $0x2  }
0x14d: {  	v4 =	vand.u32 $0x7, v4;
	v5 =	vand.u32 $0xFFFFFFE0, v5  }
0x14e: {  	v4 =	vor.u32 v4, v5  }
0x14f: {  	v5 =	vperm.xlane v4, v1;
	_ =	sdelay $0x1  }
0x150: {  	v5 =	vadd.s32 v2, v5;
	_ =	sdelay $0x2  }
0x151: {  	v4 =	vperm.xlane v4, v3;
	_ =	sdelay $0x1  }
0x152: {  	v4 =	vadd.s32 v2, v4;
	[tilespmem:s0], [sflag:$0x6] =	stream.indirect_vreg.gather [hbm4b:s1+s5], $0x80, v5, vm0, $0xb8;
	[tilespmem:$0x1D080] =	vst v63  }
0x153: {  	p0 =	sne.s32 s25, $0x6  }
0x154: {  	[tilespmem:s3], [sflag:$0x6] =	stream.indirect_vreg.gather [hbm4b:s11+s5], $0x80, v5, vm0, $0xb8;
	[tilespmem:$0x1D080] =	vst v63  }
.Ltmp1:
0x155: {  	_ = 	snop;
	(pc) =	sbr.rel @p0 .LBB2_4-.Ltmp1, $4  }
0x156: {  	_ = 	snop  }
0x157: {  	[tilespmem:s20], [sflag:$0x6] =	stream.indirect_vreg.gather [hbm4b:s1+s5], $0x80, v4, vm0, $0xb8;
	[tilespmem:$0x1D080] =	vst v63  }
0x158: {  	s25 =	sadd.s32 $0x1, s25;
	s17 =	sadd.s32 $0x4, s17;
	s19 =	sadd.s32 $0x200, s19  }
0x159: {  	[tilespmem:s21], [sflag:$0x6] =	stream.indirect_vreg.gather [hbm4b:s11+s5], $0x80, v4, vm0, $0xb8;
	[tilespmem:$0x1D080] =	vst v63  }
0x15a: {  	_ =	swait.ge [sflag:s2], $0x4000  }
0x15b: {  	[sflag:s2] =	ssyncset.done $0x0  }
0x15c: {  	s17 =	rddreg [dreg:$0xc];
	[sflag:s2] =	ssyncadd.s32 $0xFFFFC000  }
0x15d: {  	[hbm4b:s17+s5] =	stream.linear.scatter [tilespmem:s28], [sflag:$0x7], $0x4000, $0x38;
	[tilespmem:$0x1D080] =	vst v63  }
0x15e: {  	_ =	swait.ge [sflag:s10], $0x4000  }
0x15f: {  	[sflag:s10] =	ssyncset.done $0x0  }
0x160: {  	[sflag:s10] =	ssyncadd.s32 $0xFFFFC000  }
0x161: {  	_ =	swait.ge [sflag:s6], $0x4000  }
0x162: {  	[sflag:s6] =	ssyncset.done $0x0  }
0x163: {  	s25 =	rddreg [dreg:$0xd];
	[sflag:s6] =	ssyncadd.s32 $0xFFFFC000  }
0x164: {  	[hbm4b:s25+s5] =	stream.linear.scatter [tilespmem:s23], [sflag:$0x8], $0x4000, $0x38;
	[tilespmem:$0x1D080] =	vst v63  }
0x165: {  	_ =	swait.ge [sflag:s12], $0x4000  }
0x166: {  	[sflag:s12] =	ssyncset.done $0x0  }
0x167: {  	[sflag:s12] =	ssyncadd.s32 $0xFFFFC000  }
0x168: {  	_ =	swait.ge [sflag:s8], $0x4000  }
0x169: {  	[sflag:s8] =	ssyncset.done $0x0  }
0x16a: {  	s26 =	rddreg [dreg:$0xe];
	[sflag:s8] =	ssyncadd.s32 $0xFFFFC000  }
0x16b: {  	[hbm4b:s26+s5] =	stream.linear.scatter [tilespmem:s14], [sflag:$0x9], $0x4000, $0x38;
	[tilespmem:$0x1D080] =	vst v63  }
0x16c: {  	_ =	swait.ge [sflag:s13], $0x4000  }
0x16d: {  	[sflag:s13] =	ssyncset.done $0x0  }
0x16e: {  	[sflag:s13] =	ssyncadd.s32 $0xFFFFC000  }
0x16f: {  	_ =	swait.ge [sflag:s9], $0x4000  }
0x170: {  	[sflag:s9] =	ssyncset.done $0x0  }
0x171: {  	s29 =	rddreg [dreg:$0xf];
	[sflag:s9] =	ssyncadd.s32 $0xFFFFC000  }
0x172: {  	[hbm4b:s29+s5] =	stream.linear.scatter [tilespmem:s7], [sflag:$0xA], $0x4000, $0x38;
	[tilespmem:$0x1D080] =	vst v63  }
0x173: {  	_ =	swait.ge [sflag:s15], $0x4000  }
0x174: {  	[sflag:s15] =	ssyncset.done $0x0  }
0x175: {  	[sflag:s15] =	ssyncadd.s32 $0xFFFFC000  }
0x176: {  	_ =	swait.ge [sflag:s16], $0x4000  }
0x177: {  	s17 =	simm.s32 $0x28;
	[sflag:s16] =	ssyncset.done $0x0  }
.LBB2_6:
0x178: {  	p0 =	sne.s32 s17, $0x1;
	s17 =	sadd.s32 $0xFFFFFFFF, s17;
	[sflag:s16] =	ssyncadd.s32 $0xFFFFC000  }
.Ltmp2:
0x179: {  	(pc) =	sbr.rel @p0 .LBB2_6-.Ltmp2, $3  }
0x17a: {  	_ =	sdelay $0x1  }
0x17b: {  	_ =	swait.ge [sflag:s16], $0x4000  }
0x17c: {  	[sflag:s16] =	ssyncset.done $0x0  }
0x17d: {  	s19 =	rddreg [dreg:$0x13]  }
0x17e: {  	s17 =	rddreg [dreg:$0x10];
	s19 =	sadd.s32 $0x1, s19  }
0x17f: {  	p0 =	sne.s32 s19, s17  }
.Ltmp3:
0x180: {  	_ = 	snop;
	(pc) =	sbr.rel @p0 .LBB2_1-.Ltmp3, $2  }
0x181: {  	_ =	sdelay $0x2  }
0x182: {  	[sflag:s16] =	ssyncadd.s32 $0xFFFFC000;
	s25 =	simm.s32 $0xB  }
0x183: {  	_ =	sfence.sel $0x180000  }
0x184: {  	[bflag:$0x0] =	sbarrier.arrive $0xFFFF  }
0x185: {  	_ =	strace $0x90000047  }
0x186: {  	s0 =	stileid.u32;
	[bflag:$0x2] =	sbarrier.arrive $0xFFFF  }
0x187: {  	p0 =	sne.s32 s0, $0x0;
	s0 =	rddreg [dreg:$0x5]  }
0x188: {  	s0 =	sadd.s32 @!p0 $0x100000, s0  }
0x189: {  	[sflag:s0] =	ssyncadd.tile.s32 @!p0 $0x1;
	_ =	shalt  }
.Lfunc_end2:
_tile_overlayer_lowered:
.L_overlay_start_2:
0x18a: {  	(tag) =	ssettag $0x2  }
0x18b: {  	s0 =	rddreg [dreg:$0x0];
	s2 =	stileid.u32  }
0x18c: {  	s1 =	rddreg [dreg:$0x1];
	p0 =	sne.s32 s2, $0x0  }
0x18d: {  	s3 =	rddreg [dreg:$0x2];
	[bflag:$0x3] =	sbarrier.arrive $0xFFFF;
	s2 =	simm.s32 @!p0 $0x1C0B  }
0x18e: {  	[timem:s3], [sflag:s2] =	dma.local @!p0 [hbm:s0], s1  }
0x18f: {  	s0 =	simm.s32 @!p0 $0xB  }
0x190: {  	_ =	swait.ge @!p0 [sflag:s0], s1  }
0x191: {  	s1 =	ssub.s32 @!p0 $0x0, s1;
	[sflag:s0] =	ssyncset.done @!p0 $0x0  }
0x192: {  	[sflag:s0] =	ssyncadd.s32 @!p0 s1  }
0x193: {  	[bflag:$0x3] =	sbarrier.arrive $0xFFFF  }
0x194: {  	_ =	shalt  }

</sc_bundles>
